<compile_context>
chip_gen: v7x
topology: tpu7x:2x2x1
jax: 0.10.2.dev20260603
libtpu: 0.0.44.dev20260713+nightly
codegen_flags: <defaults>
</compile_context>

<pallas_src>
import functools

import jax
import jax.numpy as jnp
import numpy as np
from jax import lax
from jax.experimental import pallas as pl
from jax.experimental.pallas import tpu as pltpu
from jax.experimental.pallas import tpu_sc as plsc

B = 1024
F = 256
BOARD = 15
HW = BOARD * BOARD
PCODE_DIM = 2380
EMBED_DIM = 2 * (PCODE_DIM + 1)
EMBED_PAD = EMBED_DIM + 6
NBLOCK = (BOARD // 3) ** 2
NCELL = B * HW
NC = 2
NS = 16
NW = NC * NS
CPT = NCELL // NW
CH = 48
NCHUNK = CPT // CH
NBUF = 2
LANES = 16
FV = F // LANES


def _offset_map_flat():
    bd = BOARD // 3
    m = np.zeros((BOARD, BOARD), dtype=np.int32)
    for y in range(BOARD):
        for x in range(BOARD):
            m[y, x] = (y // 3) * bd + (x // 3)
    return jnp.asarray((m * EMBED_PAD).reshape(-1))


def _build_fused(pcode, symboard):
    sym3 = symboard.reshape(NBLOCK, EMBED_DIM, F)

    def body(sym_ref, pc_ref, out_ref):
        out_ref[0, :EMBED_DIM] = sym_ref[0] + pc_ref[...]
        out_ref[0, EMBED_DIM:] = jnp.zeros(
            (EMBED_PAD - EMBED_DIM, F), jnp.float32)

    fused3 = pl.pallas_call(
        body,
        grid=(NBLOCK,),
        in_specs=[
            pl.BlockSpec((1, EMBED_DIM, F), lambda k: (k, 0, 0)),
            pl.BlockSpec((EMBED_DIM, F), lambda k: (0, 0)),
        ],
        out_specs=pl.BlockSpec((1, EMBED_PAD, F), lambda k: (k, 0, 0)),
        out_shape=jax.ShapeDtypeStruct((NBLOCK, EMBED_PAD, F), jnp.float32),
    )(sym3, pcode)
    return fused3.reshape(NBLOCK * EMBED_PAD, F)


def _sc_gather_sum(fused, idx2, widx):
    mesh = plsc.VectorSubcoreMesh(core_axis_name="c", subcore_axis_name="s")

    @functools.partial(
        pl.kernel,
        out_type=jax.ShapeDtypeStruct((NCELL, F), jnp.float32),
        mesh=mesh,
        scratch_types=[
            pltpu.VMEM((NCHUNK, 2 * CH), jnp.int32),
            pltpu.VMEM((NCHUNK, CH), jnp.int32),
            [pltpu.VMEM((2 * CH, F), jnp.float32)] * NBUF,
            [pltpu.VMEM((CH, F), jnp.float32)] * NBUF,
            [pltpu.SemaphoreType.DMA] * NBUF,
            [pltpu.SemaphoreType.DMA] * NBUF,
        ],
    )
    def k(fused_hbm, idx_hbm, widx_hbm, out_hbm, idx_v, widx_v, bufs, outs,
          sgs, sws):
        wid = lax.axis_index("s") * NC + lax.axis_index("c")
        pltpu.sync_copy(idx_hbm.at[wid], idx_v)
        pltpu.sync_copy(widx_hbm.at[wid], widx_v)

        for p in range(NBUF):
            pltpu.async_copy(fused_hbm.at[idx_v.at[p]], bufs[p], sgs[p])

        def halfstep(j, b, o, sg, sw):
            pltpu.make_async_copy(fused_hbm.at[idx_v.at[0]], b, sg).wait()

            @pl.when(j >= NBUF)
            def _():
                pltpu.make_async_copy(
                    o, out_hbm.at[widx_v.at[0]], sw).wait()

            def add_row(r, carry):
                for kk in range(FV):
                    sl = pl.ds(kk * LANES, LANES)
                    o[r, sl] = b[r, sl] + b[CH + r, sl]
                return carry

            lax.fori_loop(0, CH, add_row, 0)

            @pl.when(j + NBUF < NCHUNK)
            def _():
                pltpu.async_copy(fused_hbm.at[idx_v.at[j + NBUF]], b, sg)

            pltpu.async_copy(o, out_hbm.at[widx_v.at[j]], sw)

        def body(jj, carry):
            for p in range(NBUF):
                halfstep(NBUF * jj + p, bufs[p], outs[p], sgs[p], sws[p])
            return carry

        lax.fori_loop(0, NCHUNK // NBUF, body, 0)
        for p in range(NBUF):
            pltpu.make_async_copy(outs[p], out_hbm.at[widx_v.at[0]],
                                  sws[p]).wait()

    return k(fused, idx2, widx)


def kernel(pcode_table, symboard_table, sparse_feature_dim,
           sparse_feature_input, board_input):
    off = _offset_map_flat()[None, :]
    p0 = jnp.where(board_input[:, 0] > 0, PCODE_DIM,
                   sparse_feature_input[:, 10]).reshape(B, HW)
    p1 = jnp.where(board_input[:, 1] > 0, PCODE_DIM,
                   sparse_feature_input[:, 11]).reshape(B, HW) + (PCODE_DIM + 1)
    i2 = (p0 + off).astype(jnp.int32).reshape(NCELL)
    i3 = (p1 + off).astype(jnp.int32).reshape(NCELL)
    idx2 = jnp.stack(
        [i2.reshape(NW, NCHUNK, CH), i3.reshape(NW, NCHUNK, CH)], axis=2)
    idx2 = idx2.reshape(NW, NCHUNK, 2 * CH)
    g = jnp.arange(NCELL, dtype=jnp.int32)
    widx = ((g % HW) * B + g // HW).reshape(NW, NCHUNK, CH)
    fused = _build_fused(pcode_table, symboard_table)
    inter = _sc_gather_sum(fused, idx2, widx)
    return inter.reshape(BOARD, BOARD, B, F).transpose(2, 3, 0, 1)

# --- scband reference (transcript-rebuilt; emitter-appended) ---
"""Pipeline reference for scband-pattern-code-block-board-embedding-9680856285695 (READ-ONLY COPY).

The authoritative reference and input builder live on the scoring server;
editing this copy changes nothing except your own understanding.
"""

import jax, jax.numpy as jnp
import numpy as np

B = 1024
FEATURE_DIM = 256
BOARD_SIZE = 15
PCODE_DIM = 2380
BLOCK_SIZE = 3
EMBED_DIM = 2 * (PCODE_DIM + 1)
NUM_BLOCKS = (BOARD_SIZE // BLOCK_SIZE) ** 2


def _make_offset_map():
    m = np.zeros((BOARD_SIZE, BOARD_SIZE), dtype=np.int32)
    bd = BOARD_SIZE // BLOCK_SIZE
    for y in range(BOARD_SIZE):
        for x in range(BOARD_SIZE):
            m[y, x] = (y // BLOCK_SIZE) * bd + (x // BLOCK_SIZE)
    return jnp.asarray(m * EMBED_DIM, dtype=jnp.int32)


def setup_inputs(seed: int = 0):
    key = jax.random.key(seed)
    k1, k2, k3, k4 = jax.random.split(key, 4)
    sparse_feature_dim = jnp.full((B, 12), PCODE_DIM, dtype=jnp.int32)
    sparse_feature_input = jax.random.randint(k1, (B, 12, BOARD_SIZE, BOARD_SIZE), 0, PCODE_DIM, dtype=jnp.int32)
    board_input = jax.random.randint(k2, (B, 2, BOARD_SIZE, BOARD_SIZE), 0, 2, dtype=jnp.int32)
    pcode_table = jax.random.normal(k3, (EMBED_DIM, FEATURE_DIM), dtype=jnp.float32)
    symboard_table = jax.random.normal(k4, (NUM_BLOCKS * EMBED_DIM, FEATURE_DIM), dtype=jnp.float32)
    return {"pcode_table": pcode_table, "symboard_table": symboard_table, "sparse_feature_dim": sparse_feature_dim, "sparse_feature_input": sparse_feature_input, "board_input": board_input}


def reference(pcode_table, symboard_table, sparse_feature_dim, sparse_feature_input, board_input):
    offset_map = _make_offset_map()
    # select pattern-code channels 10 and 11 -> [B, 2, H, W]
    p = sparse_feature_input[:, jnp.array([10, 11])]
    # occupied cells are overwritten with the sentinel code PCODE_DIM
    p = jnp.where(board_input > 0, PCODE_DIM, p)
    # second channel is offset into the upper half of the table
    p = p.at[:, 1].add(PCODE_DIM + 1)
    # per-block symmetry-board offsets for the second table
    ps = p + offset_map
    f = jnp.take(pcode_table, p, axis=0) + jnp.take(symboard_table, ps, axis=0)
    f = jnp.sum(f, axis=1)  # sum over the 2 channels -> [B, H, W, F]
    return jnp.transpose(f, (0, 3, 1, 2))  # [B, F, H, W]

if __name__ == "__main__":
    import jax
    _d = setup_inputs()
    print(jax.jit(kernel)(*tuple(_d.values())))

</pallas_src>

<mosaic_0001>
#map = affine_map<(d0, d1) -> (0, 0)>
#map1 = affine_map<(d0, d1) -> (0, 0, 0)>
module attributes {stable_mosaic.version = 14 : i64} {
  func.func @k(%arg0: i32, %arg1: i32, %arg2: memref<119200x256xf32, #tpu.memory_space<hbm>>, %arg3: memref<32x150x96xi32, #tpu.memory_space<hbm>>, %arg4: memref<32x150x48xi32, #tpu.memory_space<hbm>>, %arg5: memref<230400x256xf32, #tpu.memory_space<hbm>>, %arg6: memref<150x96xi32, #tpu.memory_space<vmem>>, %arg7: memref<150x48xi32, #tpu.memory_space<vmem>>, %arg8: memref<96x256xf32, #tpu.memory_space<vmem>>, %arg9: memref<96x256xf32, #tpu.memory_space<vmem>>, %arg10: memref<48x256xf32, #tpu.memory_space<vmem>>, %arg11: memref<48x256xf32, #tpu.memory_space<vmem>>, %arg12: memref<!tpu.dma_semaphore, #tpu.memory_space<semaphore_mem>>, %arg13: memref<!tpu.dma_semaphore, #tpu.memory_space<semaphore_mem>>, %arg14: memref<!tpu.dma_semaphore, #tpu.memory_space<semaphore_mem>>, %arg15: memref<!tpu.dma_semaphore, #tpu.memory_space<semaphore_mem>>) attributes {dimension_semantics = [#tpu.dimension_semantics<core_parallel>, #tpu.dimension_semantics<subcore_parallel>], iteration_bounds = array<i64: 2, 16>, scalar_prefetch = 0 : i64, scratch_operands = 10 : i64, tpu.core_type = #tpu.core_type<sc_vector_subcore>, window_params = [{transform_indices = #map}, {transform_indices = #map1}, {transform_indices = #map1}, {transform_indices = #map}]} {
    %mul3A = arith.constant 2 : i32
    %mul3A_0 = arith.muli %arg1, %mul3A : i32
    %add3A = arith.addi %mul3A_0, %arg0 : i32
    "tpu.region"() ({
      %run_scoped3A = tpu.sem_alloc : memref<!tpu.dma_semaphore, #tpu.memory_space<semaphore_mem>>
      %dma_start3A_32 = arith.constant 0 : i32
      %dma_start3A_33 = arith.constant 0 : i32
      %dma_start3A_34 = tpu.memref_slice %arg3[%add3A, %dma_start3A_32, %dma_start3A_33] : memref<32x150x96xi32, #tpu.memory_space<hbm>> -> memref<1x150x96xi32, #tpu.memory_space<hbm>>
      %dma_start3A_35 = tpu.memref_squeeze %dma_start3A_34 : memref<1x150x96xi32, #tpu.memory_space<hbm>> -> memref<150x96xi32, #tpu.memory_space<hbm>>
      %dma_start3A_36 = arith.constant 0 : i32
      %dma_start3A_37 = arith.constant 0 : i32
      %dma_start3A_38 = tpu.memref_slice %arg3[%add3A, %dma_start3A_36, %dma_start3A_37] : memref<32x150x96xi32, #tpu.memory_space<hbm>> -> memref<1x150x96xi32, #tpu.memory_space<hbm>>
      %dma_start3A_39 = tpu.memref_squeeze %dma_start3A_38 : memref<1x150x96xi32, #tpu.memory_space<hbm>> -> memref<150x96xi32, #tpu.memory_space<hbm>>
      tpu.enqueue_dma source(%dma_start3A_39 : memref<150x96xi32, #tpu.memory_space<hbm>>) target(%arg6 : memref<150x96xi32, #tpu.memory_space<vmem>>) target_semaphore(%run_scoped3A : memref<!tpu.dma_semaphore, #tpu.memory_space<semaphore_mem>>)
      %dma_wait3A_40 = arith.constant 0 : i32
      %dma_wait3A_41 = arith.constant 0 : i32
      %dma_wait3A_42 = tpu.memref_slice %arg3[%add3A, %dma_wait3A_40, %dma_wait3A_41] : memref<32x150x96xi32, #tpu.memory_space<hbm>> -> memref<1x150x96xi32, #tpu.memory_space<hbm>>
      %dma_wait3A_43 = tpu.memref_squeeze %dma_wait3A_42 : memref<1x150x96xi32, #tpu.memory_space<hbm>> -> memref<150x96xi32, #tpu.memory_space<hbm>>
      %dma_wait3A_44 = arith.constant 0 : i32
      %dma_wait3A_45 = arith.constant 0 : i32
      %dma_wait3A_46 = tpu.memref_slice %arg3[%add3A, %dma_wait3A_44, %dma_wait3A_45] : memref<32x150x96xi32, #tpu.memory_space<hbm>> -> memref<1x150x96xi32, #tpu.memory_space<hbm>>
      %dma_wait3A_47 = tpu.memref_squeeze %dma_wait3A_46 : memref<1x150x96xi32, #tpu.memory_space<hbm>> -> memref<150x96xi32, #tpu.memory_space<hbm>>
      tpu.wait_dma2 semaphore(%run_scoped3A : memref<!tpu.dma_semaphore, #tpu.memory_space<semaphore_mem>>) src(%dma_wait3A_47 : memref<150x96xi32, #tpu.memory_space<hbm>>) dst(%arg6 : memref<150x96xi32, #tpu.memory_space<vmem>>)
      tpu.yield
    }) : () -> ()
    "tpu.region"() ({
      %run_scoped3A = tpu.sem_alloc : memref<!tpu.dma_semaphore, #tpu.memory_space<semaphore_mem>>
      %dma_start3A_32 = arith.constant 0 : i32
      %dma_start3A_33 = arith.constant 0 : i32
      %dma_start3A_34 = tpu.memref_slice %arg4[%add3A, %dma_start3A_32, %dma_start3A_33] : memref<32x150x48xi32, #tpu.memory_space<hbm>> -> memref<1x150x48xi32, #tpu.memory_space<hbm>>
      %dma_start3A_35 = tpu.memref_squeeze %dma_start3A_34 : memref<1x150x48xi32, #tpu.memory_space<hbm>> -> memref<150x48xi32, #tpu.memory_space<hbm>>
      %dma_start3A_36 = arith.constant 0 : i32
      %dma_start3A_37 = arith.constant 0 : i32
      %dma_start3A_38 = tpu.memref_slice %arg4[%add3A, %dma_start3A_36, %dma_start3A_37] : memref<32x150x48xi32, #tpu.memory_space<hbm>> -> memref<1x150x48xi32, #tpu.memory_space<hbm>>
      %dma_start3A_39 = tpu.memref_squeeze %dma_start3A_38 : memref<1x150x48xi32, #tpu.memory_space<hbm>> -> memref<150x48xi32, #tpu.memory_space<hbm>>
      tpu.enqueue_dma source(%dma_start3A_39 : memref<150x48xi32, #tpu.memory_space<hbm>>) target(%arg7 : memref<150x48xi32, #tpu.memory_space<vmem>>) target_semaphore(%run_scoped3A : memref<!tpu.dma_semaphore, #tpu.memory_space<semaphore_mem>>)
      %dma_wait3A_40 = arith.constant 0 : i32
      %dma_wait3A_41 = arith.constant 0 : i32
      %dma_wait3A_42 = tpu.memref_slice %arg4[%add3A, %dma_wait3A_40, %dma_wait3A_41] : memref<32x150x48xi32, #tpu.memory_space<hbm>> -> memref<1x150x48xi32, #tpu.memory_space<hbm>>
      %dma_wait3A_43 = tpu.memref_squeeze %dma_wait3A_42 : memref<1x150x48xi32, #tpu.memory_space<hbm>> -> memref<150x48xi32, #tpu.memory_space<hbm>>
      %dma_wait3A_44 = arith.constant 0 : i32
      %dma_wait3A_45 = arith.constant 0 : i32
      %dma_wait3A_46 = tpu.memref_slice %arg4[%add3A, %dma_wait3A_44, %dma_wait3A_45] : memref<32x150x48xi32, #tpu.memory_space<hbm>> -> memref<1x150x48xi32, #tpu.memory_space<hbm>>
      %dma_wait3A_47 = tpu.memref_squeeze %dma_wait3A_46 : memref<1x150x48xi32, #tpu.memory_space<hbm>> -> memref<150x48xi32, #tpu.memory_space<hbm>>
      tpu.wait_dma2 semaphore(%run_scoped3A : memref<!tpu.dma_semaphore, #tpu.memory_space<semaphore_mem>>) src(%dma_wait3A_47 : memref<150x48xi32, #tpu.memory_space<hbm>>) dst(%arg7 : memref<150x48xi32, #tpu.memory_space<vmem>>)
      tpu.yield
    }) : () -> ()
    %dma_start3A = arith.constant 0 : i32
    %dma_start3A_1 = arith.constant 0 : i32
    %dma_start3A_2 = tpu.memref_slice %arg6[%dma_start3A, %dma_start3A_1] : memref<150x96xi32, #tpu.memory_space<vmem>> -> memref<1x96xi32, #tpu.memory_space<vmem>>
    %dma_start3A_3 = tpu.memref_squeeze %dma_start3A_2 : memref<1x96xi32, #tpu.memory_space<vmem>> -> memref<96xi32, #tpu.memory_space<vmem>>
    %dma_start3A_4 = arith.constant 0 : i32
    %dma_start3A_5 = arith.constant 0 : i32
    %dma_start3A_6 = tpu.memref_slice %arg2[%dma_start3A_4, %dma_start3A_5] : memref<119200x256xf32, #tpu.memory_space<hbm>> -> memref<119200x256xf32, #tpu.memory_space<hbm>>
    tpu.enqueue_indirect_dma source(%dma_start3A_6 : memref<119200x256xf32, #tpu.memory_space<hbm>>) target(%arg8 : memref<96x256xf32, #tpu.memory_space<vmem>>) offsets(%dma_start3A_3 : memref<96xi32, #tpu.memory_space<vmem>>) semaphore(%arg12 : memref<!tpu.dma_semaphore, #tpu.memory_space<semaphore_mem>>)
    %dma_start3A_7 = arith.constant 1 : i32
    %dma_start3A_8 = arith.constant 0 : i32
    %dma_start3A_9 = tpu.memref_slice %arg6[%dma_start3A_7, %dma_start3A_8] : memref<150x96xi32, #tpu.memory_space<vmem>> -> memref<1x96xi32, #tpu.memory_space<vmem>>
    %dma_start3A_10 = tpu.memref_squeeze %dma_start3A_9 : memref<1x96xi32, #tpu.memory_space<vmem>> -> memref<96xi32, #tpu.memory_space<vmem>>
    %dma_start3A_11 = arith.constant 0 : i32
    %dma_start3A_12 = arith.constant 0 : i32
    %dma_start3A_13 = tpu.memref_slice %arg2[%dma_start3A_11, %dma_start3A_12] : memref<119200x256xf32, #tpu.memory_space<hbm>> -> memref<119200x256xf32, #tpu.memory_space<hbm>>
    tpu.enqueue_indirect_dma source(%dma_start3A_13 : memref<119200x256xf32, #tpu.memory_space<hbm>>) target(%arg9 : memref<96x256xf32, #tpu.memory_space<vmem>>) offsets(%dma_start3A_10 : memref<96xi32, #tpu.memory_space<vmem>>) semaphore(%arg13 : memref<!tpu.dma_semaphore, #tpu.memory_space<semaphore_mem>>)
    %scan3A = arith.constant 0 : i32
    %scan3A_14 = arith.constant 0 : i32
    %scan3A_15 = arith.constant 75 : i32
    %scan3A_16 = arith.addi %scan3A_14, %scan3A_15 : i32
    %scan3A_17 = arith.constant 1 : i32
    scf.for %scan3A_32 = %scan3A_14 to %scan3A_16 step %scan3A_17  : i32 {
      %mul3A_33 = arith.constant 2 : i32
      %mul3A_34 = arith.muli %mul3A_33, %scan3A_32 : i32
      %add3A_35 = arith.constant 0 : i32
      %add3A_36 = arith.addi %mul3A_34, %add3A_35 : i32
      %dma_wait3A_37 = arith.constant 0 : i32
      %dma_wait3A_38 = arith.constant 0 : i32
      %dma_wait3A_39 = tpu.memref_slice %arg6[%dma_wait3A_37, %dma_wait3A_38] : memref<150x96xi32, #tpu.memory_space<vmem>> -> memref<1x96xi32, #tpu.memory_space<vmem>>
      %dma_wait3A_40 = tpu.memref_squeeze %dma_wait3A_39 : memref<1x96xi32, #tpu.memory_space<vmem>> -> memref<96xi32, #tpu.memory_space<vmem>>
      %dma_wait3A_41 = arith.constant 0 : i32
      %dma_wait3A_42 = arith.constant 0 : i32
      %dma_wait3A_43 = tpu.memref_slice %arg2[%dma_wait3A_41, %dma_wait3A_42] : memref<119200x256xf32, #tpu.memory_space<hbm>> -> memref<119200x256xf32, #tpu.memory_space<hbm>>
      tpu.wait_indirect_dma semaphore(%arg12 : memref<!tpu.dma_semaphore, #tpu.memory_space<semaphore_mem>>) src(%dma_wait3A_43 : memref<119200x256xf32, #tpu.memory_space<hbm>>) dst(%arg8 : memref<96x256xf32, #tpu.memory_space<vmem>>)
      %ge3A = arith.constant 2 : i32
      %ge3A_44 = arith.cmpi sge, %add3A_36, %ge3A : i32
      %convert_element_type3A = arith.extui %ge3A_44 : i1 to i32
      %cond3A = arith.constant 0 : i32
      %cond3A_45 = arith.cmpi ne, %convert_element_type3A, %cond3A : i32
      scf.if %cond3A_45 {
        %dma_wait3A_99 = arith.constant 0 : i32
        %dma_wait3A_100 = arith.constant 0 : i32
        %dma_wait3A_101 = tpu.memref_slice %arg7[%dma_wait3A_99, %dma_wait3A_100] : memref<150x48xi32, #tpu.memory_space<vmem>> -> memref<1x48xi32, #tpu.memory_space<vmem>>
        %dma_wait3A_102 = tpu.memref_squeeze %dma_wait3A_101 : memref<1x48xi32, #tpu.memory_space<vmem>> -> memref<48xi32, #tpu.memory_space<vmem>>
        %dma_wait3A_103 = arith.constant 0 : i32
        %dma_wait3A_104 = arith.constant 0 : i32
        %dma_wait3A_105 = tpu.memref_slice %arg5[%dma_wait3A_103, %dma_wait3A_104] : memref<230400x256xf32, #tpu.memory_space<hbm>> -> memref<230400x256xf32, #tpu.memory_space<hbm>>
        tpu.wait_indirect_dma semaphore(%arg14 : memref<!tpu.dma_semaphore, #tpu.memory_space<semaphore_mem>>) src(%arg10 : memref<48x256xf32, #tpu.memory_space<vmem>>) dst(%dma_wait3A_105 : memref<230400x256xf32, #tpu.memory_space<hbm>>)
      } else {
      }
      %scan3A_46 = arith.constant 0 : i32
      %scan3A_47 = arith.constant 0 : i32
      %scan3A_48 = arith.constant 48 : i32
      %scan3A_49 = arith.addi %scan3A_47, %scan3A_48 : i32
      %scan3A_50 = arith.constant 1 : i32
      scf.for %scan3A_99 = %scan3A_47 to %scan3A_49 step %scan3A_50  : i32 {
        %get3A = arith.index_cast %scan3A_99 : i32 to index
        %get3A_100 = arith.constant 0 : index
        %get3A_101 = tpu.vector_load %arg8[%get3A, %get3A_100] {strides = array<i32>} : memref<96x256xf32, #tpu.memory_space<vmem>>, vector<1x16xf32>,
        %get3A_102 = vector.shape_cast %get3A_101 : vector<1x16xf32> to vector<16xf32>
        %add3A_103 = arith.constant 48 : i32
        %add3A_104 = arith.addi %add3A_103, %scan3A_99 : i32
        %get3A_105 = arith.index_cast %add3A_104 : i32 to index
        %get3A_106 = arith.constant 0 : index
        %get3A_107 = tpu.vector_load %arg8[%get3A_105, %get3A_106] {strides = array<i32>} : memref<96x256xf32, #tpu.memory_space<vmem>>, vector<1x16xf32>,
        %get3A_108 = vector.shape_cast %get3A_107 : vector<1x16xf32> to vector<16xf32>
        %add3A_109 = arith.addf %get3A_102, %get3A_108 : vector<16xf32>
        %swap3A = arith.index_cast %scan3A_99 : i32 to index
        %swap3A_110 = arith.constant 0 : index
        %swap3A_111 = tpu.vector_load %arg10[%swap3A, %swap3A_110] {strides = array<i32>} : memref<48x256xf32, #tpu.memory_space<vmem>>, vector<1x16xf32>,
        %swap3A_112 = vector.shape_cast %swap3A_111 : vector<1x16xf32> to vector<16xf32>
        %swap3A_113 = vector.shape_cast %add3A_109 : vector<16xf32> to vector<1x16xf32>
        tpu.vector_store %arg10[%swap3A, %swap3A_110], %swap3A_113 {strides = array<i32>} : memref<48x256xf32, #tpu.memory_space<vmem>>, vector<1x16xf32>,
        %get3A_114 = arith.index_cast %scan3A_99 : i32 to index
        %get3A_115 = arith.constant 16 : index
        %get3A_116 = tpu.vector_load %arg8[%get3A_114, %get3A_115] {strides = array<i32>} : memref<96x256xf32, #tpu.memory_space<vmem>>, vector<1x16xf32>,
        %get3A_117 = vector.shape_cast %get3A_116 : vector<1x16xf32> to vector<16xf32>
        %add3A_118 = arith.constant 48 : i32
        %add3A_119 = arith.addi %add3A_118, %scan3A_99 : i32
        %get3A_120 = arith.index_cast %add3A_119 : i32 to index
        %get3A_121 = arith.constant 16 : index
        %get3A_122 = tpu.vector_load %arg8[%get3A_120, %get3A_121] {strides = array<i32>} : memref<96x256xf32, #tpu.memory_space<vmem>>, vector<1x16xf32>,
        %get3A_123 = vector.shape_cast %get3A_122 : vector<1x16xf32> to vector<16xf32>
        %add3A_124 = arith.addf %get3A_117, %get3A_123 : vector<16xf32>
        %swap3A_125 = arith.index_cast %scan3A_99 : i32 to index
        %swap3A_126 = arith.constant 16 : index
        %swap3A_127 = tpu.vector_load %arg10[%swap3A_125, %swap3A_126] {strides = array<i32>} : memref<48x256xf32, #tpu.memory_space<vmem>>, vector<1x16xf32>,
        %swap3A_128 = vector.shape_cast %swap3A_127 : vector<1x16xf32> to vector<16xf32>
        %swap3A_129 = vector.shape_cast %add3A_124 : vector<16xf32> to vector<1x16xf32>
        tpu.vector_store %arg10[%swap3A_125, %swap3A_126], %swap3A_129 {strides = array<i32>} : memref<48x256xf32, #tpu.memory_space<vmem>>, vector<1x16xf32>,
        %get3A_130 = arith.index_cast %scan3A_99 : i32 to index
        %get3A_131 = arith.constant 32 : index
        %get3A_132 = tpu.vector_load %arg8[%get3A_130, %get3A_131] {strides = array<i32>} : memref<96x256xf32, #tpu.memory_space<vmem>>, vector<1x16xf32>,
        %get3A_133 = vector.shape_cast %get3A_132 : vector<1x16xf32> to vector<16xf32>
        %add3A_134 = arith.constant 48 : i32
        %add3A_135 = arith.addi %add3A_134, %scan3A_99 : i32
        %get3A_136 = arith.index_cast %add3A_135 : i32 to index
        %get3A_137 = arith.constant 32 : index
        %get3A_138 = tpu.vector_load %arg8[%get3A_136, %get3A_137] {strides = array<i32>} : memref<96x256xf32, #tpu.memory_space<vmem>>, vector<1x16xf32>,
        %get3A_139 = vector.shape_cast %get3A_138 : vector<1x16xf32> to vector<16xf32>
        %add3A_140 = arith.addf %get3A_133, %get3A_139 : vector<16xf32>
        %swap3A_141 = arith.index_cast %scan3A_99 : i32 to index
        %swap3A_142 = arith.constant 32 : index
        %swap3A_143 = tpu.vector_load %arg10[%swap3A_141, %swap3A_142] {strides = array<i32>} : memref<48x256xf32, #tpu.memory_space<vmem>>, vector<1x16xf32>,
        %swap3A_144 = vector.shape_cast %swap3A_143 : vector<1x16xf32> to vector<16xf32>
        %swap3A_145 = vector.shape_cast %add3A_140 : vector<16xf32> to vector<1x16xf32>
        tpu.vector_store %arg10[%swap3A_141, %swap3A_142], %swap3A_145 {strides = array<i32>} : memref<48x256xf32, #tpu.memory_space<vmem>>, vector<1x16xf32>,
        %get3A_146 = arith.index_cast %scan3A_99 : i32 to index
        %get3A_147 = arith.constant 48 : index
        %get3A_148 = tpu.vector_load %arg8[%get3A_146, %get3A_147] {strides = array<i32>} : memref<96x256xf32, #tpu.memory_space<vmem>>, vector<1x16xf32>,
        %get3A_149 = vector.shape_cast %get3A_148 : vector<1x16xf32> to vector<16xf32>
        %add3A_150 = arith.constant 48 : i32
        %add3A_151 = arith.addi %add3A_150, %scan3A_99 : i32
        %get3A_152 = arith.index_cast %add3A_151 : i32 to index
        %get3A_153 = arith.constant 48 : index
        %get3A_154 = tpu.vector_load %arg8[%get3A_152, %get3A_153] {strides = array<i32>} : memref<96x256xf32, #tpu.memory_space<vmem>>, vector<1x16xf32>,
        %get3A_155 = vector.shape_cast %get3A_154 : vector<1x16xf32> to vector<16xf32>
        %add3A_156 = arith.addf %get3A_149, %get3A_155 : vector<16xf32>
        %swap3A_157 = arith.index_cast %scan3A_99 : i32 to index
        %swap3A_158 = arith.constant 48 : index
        %swap3A_159 = tpu.vector_load %arg10[%swap3A_157, %swap3A_158] {strides = array<i32>} : memref<48x256xf32, #tpu.memory_space<vmem>>, vector<1x16xf32>,
        %swap3A_160 = vector.shape_cast %swap3A_159 : vector<1x16xf32> to vector<16xf32>
        %swap3A_161 = vector.shape_cast %add3A_156 : vector<16xf32> to vector<1x16xf32>
        tpu.vector_store %arg10[%swap3A_157, %swap3A_158], %swap3A_161 {strides = array<i32>} : memref<48x256xf32, #tpu.memory_space<vmem>>, vector<1x16xf32>,
        %get3A_162 = arith.index_cast %scan3A_99 : i32 to index
        %get3A_163 = arith.constant 64 : index
        %get3A_164 = tpu.vector_load %arg8[%get3A_162, %get3A_163] {strides = array<i32>} : memref<96x256xf32, #tpu.memory_space<vmem>>, vector<1x16xf32>,
        %get3A_165 = vector.shape_cast %get3A_164 : vector<1x16xf32> to vector<16xf32>
        %add3A_166 = arith.constant 48 : i32
        %add3A_167 = arith.addi %add3A_166, %scan3A_99 : i32
        %get3A_168 = arith.index_cast %add3A_167 : i32 to index
        %get3A_169 = arith.constant 64 : index
        %get3A_170 = tpu.vector_load %arg8[%get3A_168, %get3A_169] {strides = array<i32>} : memref<96x256xf32, #tpu.memory_space<vmem>>, vector<1x16xf32>,
        %get3A_171 = vector.shape_cast %get3A_170 : vector<1x16xf32> to vector<16xf32>
        %add3A_172 = arith.addf %get3A_165, %get3A_171 : vector<16xf32>
        %swap3A_173 = arith.index_cast %scan3A_99 : i32 to index
        %swap3A_174 = arith.constant 64 : index
        %swap3A_175 = tpu.vector_load %arg10[%swap3A_173, %swap3A_174] {strides = array<i32>} : memref<48x256xf32, #tpu.memory_space<vmem>>, vector<1x16xf32>,
        %swap3A_176 = vector.shape_cast %swap3A_175 : vector<1x16xf32> to vector<16xf32>
        %swap3A_177 = vector.shape_cast %add3A_172 : vector<16xf32> to vector<1x16xf32>
        tpu.vector_store %arg10[%swap3A_173, %swap3A_174], %swap3A_177 {strides = array<i32>} : memref<48x256xf32, #tpu.memory_space<vmem>>, vector<1x16xf32>,
        %get3A_178 = arith.index_cast %scan3A_99 : i32 to index
        %get3A_179 = arith.constant 80 : index
        %get3A_180 = tpu.vector_load %arg8[%get3A_178, %get3A_179] {strides = array<i32>} : memref<96x256xf32, #tpu.memory_space<vmem>>, vector<1x16xf32>,
        %get3A_181 = vector.shape_cast %get3A_180 : vector<1x16xf32> to vector<16xf32>
        %add3A_182 = arith.constant 48 : i32
        %add3A_183 = arith.addi %add3A_182, %scan3A_99 : i32
        %get3A_184 = arith.index_cast %add3A_183 : i32 to index
        %get3A_185 = arith.constant 80 : index
        %get3A_186 = tpu.vector_load %arg8[%get3A_184, %get3A_185] {strides = array<i32>} : memref<96x256xf32, #tpu.memory_space<vmem>>, vector<1x16xf32>,
        %get3A_187 = vector.shape_cast %get3A_186 : vector<1x16xf32> to vector<16xf32>
        %add3A_188 = arith.addf %get3A_181, %get3A_187 : vector<16xf32>
        %swap3A_189 = arith.index_cast %scan3A_99 : i32 to index
        %swap3A_190 = arith.constant 80 : index
        %swap3A_191 = tpu.vector_load %arg10[%swap3A_189, %swap3A_190] {strides = array<i32>} : memref<48x256xf32, #tpu.memory_space<vmem>>, vector<1x16xf32>,
        %swap3A_192 = vector.shape_cast %swap3A_191 : vector<1x16xf32> to vector<16xf32>
        %swap3A_193 = vector.shape_cast %add3A_188 : vector<16xf32> to vector<1x16xf32>
        tpu.vector_store %arg10[%swap3A_189, %swap3A_190], %swap3A_193 {strides = array<i32>} : memref<48x256xf32, #tpu.memory_space<vmem>>, vector<1x16xf32>,
        %get3A_194 = arith.index_cast %scan3A_99 : i32 to index
        %get3A_195 = arith.constant 96 : index
        %get3A_196 = tpu.vector_load %arg8[%get3A_194, %get3A_195] {strides = array<i32>} : memref<96x256xf32, #tpu.memory_space<vmem>>, vector<1x16xf32>,
        %get3A_197 = vector.shape_cast %get3A_196 : vector<1x16xf32> to vector<16xf32>
        %add3A_198 = arith.constant 48 : i32
        %add3A_199 = arith.addi %add3A_198, %scan3A_99 : i32
        %get3A_200 = arith.index_cast %add3A_199 : i32 to index
        %get3A_201 = arith.constant 96 : index
        %get3A_202 = tpu.vector_load %arg8[%get3A_200, %get3A_201] {strides = array<i32>} : memref<96x256xf32, #tpu.memory_space<vmem>>, vector<1x16xf32>,
        %get3A_203 = vector.shape_cast %get3A_202 : vector<1x16xf32> to vector<16xf32>
        %add3A_204 = arith.addf %get3A_197, %get3A_203 : vector<16xf32>
        %swap3A_205 = arith.index_cast %scan3A_99 : i32 to index
        %swap3A_206 = arith.constant 96 : index
        %swap3A_207 = tpu.vector_load %arg10[%swap3A_205, %swap3A_206] {strides = array<i32>} : memref<48x256xf32, #tpu.memory_space<vmem>>, vector<1x16xf32>,
        %swap3A_208 = vector.shape_cast %swap3A_207 : vector<1x16xf32> to vector<16xf32>
        %swap3A_209 = vector.shape_cast %add3A_204 : vector<16xf32> to vector<1x16xf32>
        tpu.vector_store %arg10[%swap3A_205, %swap3A_206], %swap3A_209 {strides = array<i32>} : memref<48x256xf32, #tpu.memory_space<vmem>>, vector<1x16xf32>,
        %get3A_210 = arith.index_cast %scan3A_99 : i32 to index
        %get3A_211 = arith.constant 112 : index
        %get3A_212 = tpu.vector_load %arg8[%get3A_210, %get3A_211] {strides = array<i32>} : memref<96x256xf32, #tpu.memory_space<vmem>>, vector<1x16xf32>,
        %get3A_213 = vector.shape_cast %get3A_212 : vector<1x16xf32> to vector<16xf32>
        %add3A_214 = arith.constant 48 : i32
        %add3A_215 = arith.addi %add3A_214, %scan3A_99 : i32
        %get3A_216 = arith.index_cast %add3A_215 : i32 to index
        %get3A_217 = arith.constant 112 : index
        %get3A_218 = tpu.vector_load %arg8[%get3A_216, %get3A_217] {strides = array<i32>} : memref<96x256xf32, #tpu.memory_space<vmem>>, vector<1x16xf32>,
        %get3A_219 = vector.shape_cast %get3A_218 : vector<1x16xf32> to vector<16xf32>
        %add3A_220 = arith.addf %get3A_213, %get3A_219 : vector<16xf32>
        %swap3A_221 = arith.index_cast %scan3A_99 : i32 to index
        %swap3A_222 = arith.constant 112 : index
        %swap3A_223 = tpu.vector_load %arg10[%swap3A_221, %swap3A_222] {strides = array<i32>} : memref<48x256xf32, #tpu.memory_space<vmem>>, vector<1x16xf32>,
        %swap3A_224 = vector.shape_cast %swap3A_223 : vector<1x16xf32> to vector<16xf32>
        %swap3A_225 = vector.shape_cast %add3A_220 : vector<16xf32> to vector<1x16xf32>
        tpu.vector_store %arg10[%swap3A_221, %swap3A_222], %swap3A_225 {strides = array<i32>} : memref<48x256xf32, #tpu.memory_space<vmem>>, vector<1x16xf32>,
        %get3A_226 = arith.index_cast %scan3A_99 : i32 to index
        %get3A_227 = arith.constant 128 : index
        %get3A_228 = tpu.vector_load %arg8[%get3A_226, %get3A_227] {strides = array<i32>} : memref<96x256xf32, #tpu.memory_space<vmem>>, vector<1x16xf32>,
        %get3A_229 = vector.shape_cast %get3A_228 : vector<1x16xf32> to vector<16xf32>
        %add3A_230 = arith.constant 48 : i32
        %add3A_231 = arith.addi %add3A_230, %scan3A_99 : i32
        %get3A_232 = arith.index_cast %add3A_231 : i32 to index
        %get3A_233 = arith.constant 128 : index
        %get3A_234 = tpu.vector_load %arg8[%get3A_232, %get3A_233] {strides = array<i32>} : memref<96x256xf32, #tpu.memory_space<vmem>>, vector<1x16xf32>,
        %get3A_235 = vector.shape_cast %get3A_234 : vector<1x16xf32> to vector<16xf32>
        %add3A_236 = arith.addf %get3A_229, %get3A_235 : vector<16xf32>
        %swap3A_237 = arith.index_cast %scan3A_99 : i32 to index
        %swap3A_238 = arith.constant 128 : index
        %swap3A_239 = tpu.vector_load %arg10[%swap3A_237, %swap3A_238] {strides = array<i32>} : memref<48x256xf32, #tpu.memory_space<vmem>>, vector<1x16xf32>,
        %swap3A_240 = vector.shape_cast %swap3A_239 : vector<1x16xf32> to vector<16xf32>
        %swap3A_241 = vector.shape_cast %add3A_236 : vector<16xf32> to vector<1x16xf32>
        tpu.vector_store %arg10[%swap3A_237, %swap3A_238], %swap3A_241 {strides = array<i32>} : memref<48x256xf32, #tpu.memory_space<vmem>>, vector<1x16xf32>,
        %get3A_242 = arith.index_cast %scan3A_99 : i32 to index
        %get3A_243 = arith.constant 144 : index
        %get3A_244 = tpu.vector_load %arg8[%get3A_242, %get3A_243] {strides = array<i32>} : memref<96x256xf32, #tpu.memory_space<vmem>>, vector<1x16xf32>,
        %get3A_245 = vector.shape_cast %get3A_244 : vector<1x16xf32> to vector<16xf32>
        %add3A_246 = arith.constant 48 : i32
        %add3A_247 = arith.addi %add3A_246, %scan3A_99 : i32
        %get3A_248 = arith.index_cast %add3A_247 : i32 to index
        %get3A_249 = arith.constant 144 : index
        %get3A_250 = tpu.vector_load %arg8[%get3A_248, %get3A_249] {strides = array<i32>} : memref<96x256xf32, #tpu.memory_space<vmem>>, vector<1x16xf32>,
        %get3A_251 = vector.shape_cast %get3A_250 : vector<1x16xf32> to vector<16xf32>
        %add3A_252 = arith.addf %get3A_245, %get3A_251 : vector<16xf32>
        %swap3A_253 = arith.index_cast %scan3A_99 : i32 to index
        %swap3A_254 = arith.constant 144 : index
        %swap3A_255 = tpu.vector_load %arg10[%swap3A_253, %swap3A_254] {strides = array<i32>} : memref<48x256xf32, #tpu.memory_space<vmem>>, vector<1x16xf32>,
        %swap3A_256 = vector.shape_cast %swap3A_255 : vector<1x16xf32> to vector<16xf32>
        %swap3A_257 = vector.shape_cast %add3A_252 : vector<16xf32> to vector<1x16xf32>
        tpu.vector_store %arg10[%swap3A_253, %swap3A_254], %swap3A_257 {strides = array<i32>} : memref<48x256xf32, #tpu.memory_space<vmem>>, vector<1x16xf32>,
        %get3A_258 = arith.index_cast %scan3A_99 : i32 to index
        %get3A_259 = arith.constant 160 : index
        %get3A_260 = tpu.vector_load %arg8[%get3A_258, %get3A_259] {strides = array<i32>} : memref<96x256xf32, #tpu.memory_space<vmem>>, vector<1x16xf32>,
        %get3A_261 = vector.shape_cast %get3A_260 : vector<1x16xf32> to vector<16xf32>
        %add3A_262 = arith.constant 48 : i32
        %add3A_263 = arith.addi %add3A_262, %scan3A_99 : i32
        %get3A_264 = arith.index_cast %add3A_263 : i32 to index
        %get3A_265 = arith.constant 160 : index
        %get3A_266 = tpu.vector_load %arg8[%get3A_264, %get3A_265] {strides = array<i32>} : memref<96x256xf32, #tpu.memory_space<vmem>>, vector<1x16xf32>,
        %get3A_267 = vector.shape_cast %get3A_266 : vector<1x16xf32> to vector<16xf32>
        %add3A_268 = arith.addf %get3A_261, %get3A_267 : vector<16xf32>
        %swap3A_269 = arith.index_cast %scan3A_99 : i32 to index
        %swap3A_270 = arith.constant 160 : index
        %swap3A_271 = tpu.vector_load %arg10[%swap3A_269, %swap3A_270] {strides = array<i32>} : memref<48x256xf32, #tpu.memory_space<vmem>>, vector<1x16xf32>,
        %swap3A_272 = vector.shape_cast %swap3A_271 : vector<1x16xf32> to vector<16xf32>
        %swap3A_273 = vector.shape_cast %add3A_268 : vector<16xf32> to vector<1x16xf32>
        tpu.vector_store %arg10[%swap3A_269, %swap3A_270], %swap3A_273 {strides = array<i32>} : memref<48x256xf32, #tpu.memory_space<vmem>>, vector<1x16xf32>,
        %get3A_274 = arith.index_cast %scan3A_99 : i32 to index
        %get3A_275 = arith.constant 176 : index
        %get3A_276 = tpu.vector_load %arg8[%get3A_274, %get3A_275] {strides = array<i32>} : memref<96x256xf32, #tpu.memory_space<vmem>>, vector<1x16xf32>,
        %get3A_277 = vector.shape_cast %get3A_276 : vector<1x16xf32> to vector<16xf32>
        %add3A_278 = arith.constant 48 : i32
        %add3A_279 = arith.addi %add3A_278, %scan3A_99 : i32
        %get3A_280 = arith.index_cast %add3A_279 : i32 to index
        %get3A_281 = arith.constant 176 : index
        %get3A_282 = tpu.vector_load %arg8[%get3A_280, %get3A_281] {strides = array<i32>} : memref<96x256xf32, #tpu.memory_space<vmem>>, vector<1x16xf32>,
        %get3A_283 = vector.shape_cast %get3A_282 : vector<1x16xf32> to vector<16xf32>
        %add3A_284 = arith.addf %get3A_277, %get3A_283 : vector<16xf32>
        %swap3A_285 = arith.index_cast %scan3A_99 : i32 to index
        %swap3A_286 = arith.constant 176 : index
        %swap3A_287 = tpu.vector_load %arg10[%swap3A_285, %swap3A_286] {strides = array<i32>} : memref<48x256xf32, #tpu.memory_space<vmem>>, vector<1x16xf32>,
        %swap3A_288 = vector.shape_cast %swap3A_287 : vector<1x16xf32> to vector<16xf32>
        %swap3A_289 = vector.shape_cast %add3A_284 : vector<16xf32> to vector<1x16xf32>
        tpu.vector_store %arg10[%swap3A_285, %swap3A_286], %swap3A_289 {strides = array<i32>} : memref<48x256xf32, #tpu.memory_space<vmem>>, vector<1x16xf32>,
        %get3A_290 = arith.index_cast %scan3A_99 : i32 to index
        %get3A_291 = arith.constant 192 : index
        %get3A_292 = tpu.vector_load %arg8[%get3A_290, %get3A_291] {strides = array<i32>} : memref<96x256xf32, #tpu.memory_space<vmem>>, vector<1x16xf32>,
        %get3A_293 = vector.shape_cast %get3A_292 : vector<1x16xf32> to vector<16xf32>
        %add3A_294 = arith.constant 48 : i32
        %add3A_295 = arith.addi %add3A_294, %scan3A_99 : i32
        %get3A_296 = arith.index_cast %add3A_295 : i32 to index
        %get3A_297 = arith.constant 192 : index
        %get3A_298 = tpu.vector_load %arg8[%get3A_296, %get3A_297] {strides = array<i32>} : memref<96x256xf32, #tpu.memory_space<vmem>>, vector<1x16xf32>,
        %get3A_299 = vector.shape_cast %get3A_298 : vector<1x16xf32> to vector<16xf32>
        %add3A_300 = arith.addf %get3A_293, %get3A_299 : vector<16xf32>
        %swap3A_301 = arith.index_cast %scan3A_99 : i32 to index
        %swap3A_302 = arith.constant 192 : index
        %swap3A_303 = tpu.vector_load %arg10[%swap3A_301, %swap3A_302] {strides = array<i32>} : memref<48x256xf32, #tpu.memory_space<vmem>>, vector<1x16xf32>,
        %swap3A_304 = vector.shape_cast %swap3A_303 : vector<1x16xf32> to vector<16xf32>
        %swap3A_305 = vector.shape_cast %add3A_300 : vector<16xf32> to vector<1x16xf32>
        tpu.vector_store %arg10[%swap3A_301, %swap3A_302], %swap3A_305 {strides = array<i32>} : memref<48x256xf32, #tpu.memory_space<vmem>>, vector<1x16xf32>,
        %get3A_306 = arith.index_cast %scan3A_99 : i32 to index
        %get3A_307 = arith.constant 208 : index
        %get3A_308 = tpu.vector_load %arg8[%get3A_306, %get3A_307] {strides = array<i32>} : memref<96x256xf32, #tpu.memory_space<vmem>>, vector<1x16xf32>,
        %get3A_309 = vector.shape_cast %get3A_308 : vector<1x16xf32> to vector<16xf32>
        %add3A_310 = arith.constant 48 : i32
        %add3A_311 = arith.addi %add3A_310, %scan3A_99 : i32
        %get3A_312 = arith.index_cast %add3A_311 : i32 to index
        %get3A_313 = arith.constant 208 : index
        %get3A_314 = tpu.vector_load %arg8[%get3A_312, %get3A_313] {strides = array<i32>} : memref<96x256xf32, #tpu.memory_space<vmem>>, vector<1x16xf32>,
        %get3A_315 = vector.shape_cast %get3A_314 : vector<1x16xf32> to vector<16xf32>
        %add3A_316 = arith.addf %get3A_309, %get3A_315 : vector<16xf32>
        %swap3A_317 = arith.index_cast %scan3A_99 : i32 to index
        %swap3A_318 = arith.constant 208 : index
        %swap3A_319 = tpu.vector_load %arg10[%swap3A_317, %swap3A_318] {strides = array<i32>} : memref<48x256xf32, #tpu.memory_space<vmem>>, vector<1x16xf32>,
        %swap3A_320 = vector.shape_cast %swap3A_319 : vector<1x16xf32> to vector<16xf32>
        %swap3A_321 = vector.shape_cast %add3A_316 : vector<16xf32> to vector<1x16xf32>
        tpu.vector_store %arg10[%swap3A_317, %swap3A_318], %swap3A_321 {strides = array<i32>} : memref<48x256xf32, #tpu.memory_space<vmem>>, vector<1x16xf32>,
        %get3A_322 = arith.index_cast %scan3A_99 : i32 to index
        %get3A_323 = arith.constant 224 : index
        %get3A_324 = tpu.vector_load %arg8[%get3A_322, %get3A_323] {strides = array<i32>} : memref<96x256xf32, #tpu.memory_space<vmem>>, vector<1x16xf32>,
        %get3A_325 = vector.shape_cast %get3A_324 : vector<1x16xf32> to vector<16xf32>
        %add3A_326 = arith.constant 48 : i32
        %add3A_327 = arith.addi %add3A_326, %scan3A_99 : i32
        %get3A_328 = arith.index_cast %add3A_327 : i32 to index
        %get3A_329 = arith.constant 224 : index
        %get3A_330 = tpu.vector_load %arg8[%get3A_328, %get3A_329] {strides = array<i32>} : memref<96x256xf32, #tpu.memory_space<vmem>>, vector<1x16xf32>,
        %get3A_331 = vector.shape_cast %get3A_330 : vector<1x16xf32> to vector<16xf32>
        %add3A_332 = arith.addf %get3A_325, %get3A_331 : vector<16xf32>
        %swap3A_333 = arith.index_cast %scan3A_99 : i32 to index
        %swap3A_334 = arith.constant 224 : index
        %swap3A_335 = tpu.vector_load %arg10[%swap3A_333, %swap3A_334] {strides = array<i32>} : memref<48x256xf32, #tpu.memory_space<vmem>>, vector<1x16xf32>,
        %swap3A_336 = vector.shape_cast %swap3A_335 : vector<1x16xf32> to vector<16xf32>
        %swap3A_337 = vector.shape_cast %add3A_332 : vector<16xf32> to vector<1x16xf32>
        tpu.vector_store %arg10[%swap3A_333, %swap3A_334], %swap3A_337 {strides = array<i32>} : memref<48x256xf32, #tpu.memory_space<vmem>>, vector<1x16xf32>,
        %get3A_338 = arith.index_cast %scan3A_99 : i32 to index
        %get3A_339 = arith.constant 240 : index
        %get3A_340 = tpu.vector_load %arg8[%get3A_338, %get3A_339] {strides = array<i32>} : memref<96x256xf32, #tpu.memory_space<vmem>>, vector<1x16xf32>,
        %get3A_341 = vector.shape_cast %get3A_340 : vector<1x16xf32> to vector<16xf32>
        %add3A_342 = arith.constant 48 : i32
        %add3A_343 = arith.addi %add3A_342, %scan3A_99 : i32
        %get3A_344 = arith.index_cast %add3A_343 : i32 to index
        %get3A_345 = arith.constant 240 : index
        %get3A_346 = tpu.vector_load %arg8[%get3A_344, %get3A_345] {strides = array<i32>} : memref<96x256xf32, #tpu.memory_space<vmem>>, vector<1x16xf32>,
        %get3A_347 = vector.shape_cast %get3A_346 : vector<1x16xf32> to vector<16xf32>
        %add3A_348 = arith.addf %get3A_341, %get3A_347 : vector<16xf32>
        %swap3A_349 = arith.index_cast %scan3A_99 : i32 to index
        %swap3A_350 = arith.constant 240 : index
        %swap3A_351 = tpu.vector_load %arg10[%swap3A_349, %swap3A_350] {strides = array<i32>} : memref<48x256xf32, #tpu.memory_space<vmem>>, vector<1x16xf32>,
        %swap3A_352 = vector.shape_cast %swap3A_351 : vector<1x16xf32> to vector<16xf32>
        %swap3A_353 = vector.shape_cast %add3A_348 : vector<16xf32> to vector<1x16xf32>
        tpu.vector_store %arg10[%swap3A_349, %swap3A_350], %swap3A_353 {strides = array<i32>} : memref<48x256xf32, #tpu.memory_space<vmem>>, vector<1x16xf32>,
      }
      %scan3A_51 = arith.constant 48 : i32
      %add3A_52 = arith.constant 2 : i32
      %add3A_53 = arith.addi %add3A_36, %add3A_52 : i32
      %lt3A = arith.constant 150 : i32
      %lt3A_54 = arith.cmpi slt, %add3A_53, %lt3A : i32
      %convert_element_type3A_55 = arith.extui %lt3A_54 : i1 to i32
      %cond3A_56 = arith.constant 0 : i32
      %cond3A_57 = arith.cmpi ne, %convert_element_type3A_55, %cond3A_56 : i32
      scf.if %cond3A_57 {
        %add3A_99 = arith.constant 2 : i32
        %add3A_100 = arith.addi %add3A_36, %add3A_99 : i32
        %dma_start3A_101 = arith.constant 0 : i32
        %dma_start3A_102 = tpu.memref_slice %arg6[%add3A_100, %dma_start3A_101] : memref<150x96xi32, #tpu.memory_space<vmem>> -> memref<1x96xi32, #tpu.memory_space<vmem>>
        %dma_start3A_103 = tpu.memref_squeeze %dma_start3A_102 : memref<1x96xi32, #tpu.memory_space<vmem>> -> memref<96xi32, #tpu.memory_space<vmem>>
        %dma_start3A_104 = arith.constant 0 : i32
        %dma_start3A_105 = arith.constant 0 : i32
        %dma_start3A_106 = tpu.memref_slice %arg2[%dma_start3A_104, %dma_start3A_105] : memref<119200x256xf32, #tpu.memory_space<hbm>> -> memref<119200x256xf32, #tpu.memory_space<hbm>>
        tpu.enqueue_indirect_dma source(%dma_start3A_106 : memref<119200x256xf32, #tpu.memory_space<hbm>>) target(%arg8 : memref<96x256xf32, #tpu.memory_space<vmem>>) offsets(%dma_start3A_103 : memref<96xi32, #tpu.memory_space<vmem>>) semaphore(%arg12 : memref<!tpu.dma_semaphore, #tpu.memory_space<semaphore_mem>>)
      } else {
      }
      %dma_start3A_58 = arith.constant 0 : i32
      %dma_start3A_59 = tpu.memref_slice %arg7[%add3A_36, %dma_start3A_58] : memref<150x48xi32, #tpu.memory_space<vmem>> -> memref<1x48xi32, #tpu.memory_space<vmem>>
      %dma_start3A_60 = tpu.memref_squeeze %dma_start3A_59 : memref<1x48xi32, #tpu.memory_space<vmem>> -> memref<48xi32, #tpu.memory_space<vmem>>
      %dma_start3A_61 = arith.constant 0 : i32
      %dma_start3A_62 = arith.constant 0 : i32
      %dma_start3A_63 = tpu.memref_slice %arg5[%dma_start3A_61, %dma_start3A_62] : memref<230400x256xf32, #tpu.memory_space<hbm>> -> memref<230400x256xf32, #tpu.memory_space<hbm>>
      tpu.enqueue_indirect_dma source(%arg10 : memref<48x256xf32, #tpu.memory_space<vmem>>) target(%dma_start3A_63 : memref<230400x256xf32, #tpu.memory_space<hbm>>) offsets(%dma_start3A_60 : memref<48xi32, #tpu.memory_space<vmem>>) semaphore(%arg14 : memref<!tpu.dma_semaphore, #tpu.memory_space<semaphore_mem>>)
      %mul3A_64 = arith.constant 2 : i32
      %mul3A_65 = arith.muli %mul3A_64, %scan3A_32 : i32
      %add3A_66 = arith.constant 1 : i32
      %add3A_67 = arith.addi %mul3A_65, %add3A_66 : i32
      %dma_wait3A_68 = arith.constant 0 : i32
      %dma_wait3A_69 = arith.constant 0 : i32
      %dma_wait3A_70 = tpu.memref_slice %arg6[%dma_wait3A_68, %dma_wait3A_69] : memref<150x96xi32, #tpu.memory_space<vmem>> -> memref<1x96xi32, #tpu.memory_space<vmem>>
      %dma_wait3A_71 = tpu.memref_squeeze %dma_wait3A_70 : memref<1x96xi32, #tpu.memory_space<vmem>> -> memref<96xi32, #tpu.memory_space<vmem>>
      %dma_wait3A_72 = arith.constant 0 : i32
      %dma_wait3A_73 = arith.constant 0 : i32
      %dma_wait3A_74 = tpu.memref_slice %arg2[%dma_wait3A_72, %dma_wait3A_73] : memref<119200x256xf32, #tpu.memory_space<hbm>> -> memref<119200x256xf32, #tpu.memory_space<hbm>>
      tpu.wait_indirect_dma semaphore(%arg13 : memref<!tpu.dma_semaphore, #tpu.memory_space<semaphore_mem>>) src(%dma_wait3A_74 : memref<119200x256xf32, #tpu.memory_space<hbm>>) dst(%arg9 : memref<96x256xf32, #tpu.memory_space<vmem>>)
      %ge3A_75 = arith.constant 2 : i32
      %ge3A_76 = arith.cmpi sge, %add3A_67, %ge3A_75 : i32
      %convert_element_type3A_77 = arith.extui %ge3A_76 : i1 to i32
      %cond3A_78 = arith.constant 0 : i32
      %cond3A_79 = arith.cmpi ne, %convert_element_type3A_77, %cond3A_78 : i32
      scf.if %cond3A_79 {
        %dma_wait3A_99 = arith.constant 0 : i32
        %dma_wait3A_100 = arith.constant 0 : i32
        %dma_wait3A_101 = tpu.memref_slice %arg7[%dma_wait3A_99, %dma_wait3A_100] : memref<150x48xi32, #tpu.memory_space<vmem>> -> memref<1x48xi32, #tpu.memory_space<vmem>>
        %dma_wait3A_102 = tpu.memref_squeeze %dma_wait3A_101 : memref<1x48xi32, #tpu.memory_space<vmem>> -> memref<48xi32, #tpu.memory_space<vmem>>
        %dma_wait3A_103 = arith.constant 0 : i32
        %dma_wait3A_104 = arith.constant 0 : i32
        %dma_wait3A_105 = tpu.memref_slice %arg5[%dma_wait3A_103, %dma_wait3A_104] : memref<230400x256xf32, #tpu.memory_space<hbm>> -> memref<230400x256xf32, #tpu.memory_space<hbm>>
        tpu.wait_indirect_dma semaphore(%arg15 : memref<!tpu.dma_semaphore, #tpu.memory_space<semaphore_mem>>) src(%arg11 : memref<48x256xf32, #tpu.memory_space<vmem>>) dst(%dma_wait3A_105 : memref<230400x256xf32, #tpu.memory_space<hbm>>)
      } else {
      }
      %scan3A_80 = arith.constant 0 : i32
      %scan3A_81 = arith.constant 0 : i32
      %scan3A_82 = arith.constant 48 : i32
      %scan3A_83 = arith.addi %scan3A_81, %scan3A_82 : i32
      %scan3A_84 = arith.constant 1 : i32
      scf.for %scan3A_99 = %scan3A_81 to %scan3A_83 step %scan3A_84  : i32 {
        %get3A = arith.index_cast %scan3A_99 : i32 to index
        %get3A_100 = arith.constant 0 : index
        %get3A_101 = tpu.vector_load %arg9[%get3A, %get3A_100] {strides = array<i32>} : memref<96x256xf32, #tpu.memory_space<vmem>>, vector<1x16xf32>,
        %get3A_102 = vector.shape_cast %get3A_101 : vector<1x16xf32> to vector<16xf32>
        %add3A_103 = arith.constant 48 : i32
        %add3A_104 = arith.addi %add3A_103, %scan3A_99 : i32
        %get3A_105 = arith.index_cast %add3A_104 : i32 to index
        %get3A_106 = arith.constant 0 : index
        %get3A_107 = tpu.vector_load %arg9[%get3A_105, %get3A_106] {strides = array<i32>} : memref<96x256xf32, #tpu.memory_space<vmem>>, vector<1x16xf32>,
        %get3A_108 = vector.shape_cast %get3A_107 : vector<1x16xf32> to vector<16xf32>
        %add3A_109 = arith.addf %get3A_102, %get3A_108 : vector<16xf32>
        %swap3A = arith.index_cast %scan3A_99 : i32 to index
        %swap3A_110 = arith.constant 0 : index
        %swap3A_111 = tpu.vector_load %arg11[%swap3A, %swap3A_110] {strides = array<i32>} : memref<48x256xf32, #tpu.memory_space<vmem>>, vector<1x16xf32>,
        %swap3A_112 = vector.shape_cast %swap3A_111 : vector<1x16xf32> to vector<16xf32>
        %swap3A_113 = vector.shape_cast %add3A_109 : vector<16xf32> to vector<1x16xf32>
        tpu.vector_store %arg11[%swap3A, %swap3A_110], %swap3A_113 {strides = array<i32>} : memref<48x256xf32, #tpu.memory_space<vmem>>, vector<1x16xf32>,
        %get3A_114 = arith.index_cast %scan3A_99 : i32 to index
        %get3A_115 = arith.constant 16 : index
        %get3A_116 = tpu.vector_load %arg9[%get3A_114, %get3A_115] {strides = array<i32>} : memref<96x256xf32, #tpu.memory_space<vmem>>, vector<1x16xf32>,
        %get3A_117 = vector.shape_cast %get3A_116 : vector<1x16xf32> to vector<16xf32>
        %add3A_118 = arith.constant 48 : i32
        %add3A_119 = arith.addi %add3A_118, %scan3A_99 : i32
        %get3A_120 = arith.index_cast %add3A_119 : i32 to index
        %get3A_121 = arith.constant 16 : index
        %get3A_122 = tpu.vector_load %arg9[%get3A_120, %get3A_121] {strides = array<i32>} : memref<96x256xf32, #tpu.memory_space<vmem>>, vector<1x16xf32>,
        %get3A_123 = vector.shape_cast %get3A_122 : vector<1x16xf32> to vector<16xf32>
        %add3A_124 = arith.addf %get3A_117, %get3A_123 : vector<16xf32>
        %swap3A_125 = arith.index_cast %scan3A_99 : i32 to index
        %swap3A_126 = arith.constant 16 : index
        %swap3A_127 = tpu.vector_load %arg11[%swap3A_125, %swap3A_126] {strides = array<i32>} : memref<48x256xf32, #tpu.memory_space<vmem>>, vector<1x16xf32>,
        %swap3A_128 = vector.shape_cast %swap3A_127 : vector<1x16xf32> to vector<16xf32>
        %swap3A_129 = vector.shape_cast %add3A_124 : vector<16xf32> to vector<1x16xf32>
        tpu.vector_store %arg11[%swap3A_125, %swap3A_126], %swap3A_129 {strides = array<i32>} : memref<48x256xf32, #tpu.memory_space<vmem>>, vector<1x16xf32>,
        %get3A_130 = arith.index_cast %scan3A_99 : i32 to index
        %get3A_131 = arith.constant 32 : index
        %get3A_132 = tpu.vector_load %arg9[%get3A_130, %get3A_131] {strides = array<i32>} : memref<96x256xf32, #tpu.memory_space<vmem>>, vector<1x16xf32>,
        %get3A_133 = vector.shape_cast %get3A_132 : vector<1x16xf32> to vector<16xf32>
        %add3A_134 = arith.constant 48 : i32
        %add3A_135 = arith.addi %add3A_134, %scan3A_99 : i32
        %get3A_136 = arith.index_cast %add3A_135 : i32 to index
        %get3A_137 = arith.constant 32 : index
        %get3A_138 = tpu.vector_load %arg9[%get3A_136, %get3A_137] {strides = array<i32>} : memref<96x256xf32, #tpu.memory_space<vmem>>, vector<1x16xf32>,
        %get3A_139 = vector.shape_cast %get3A_138 : vector<1x16xf32> to vector<16xf32>
        %add3A_140 = arith.addf %get3A_133, %get3A_139 : vector<16xf32>
        %swap3A_141 = arith.index_cast %scan3A_99 : i32 to index
        %swap3A_142 = arith.constant 32 : index
        %swap3A_143 = tpu.vector_load %arg11[%swap3A_141, %swap3A_142] {strides = array<i32>} : memref<48x256xf32, #tpu.memory_space<vmem>>, vector<1x16xf32>,
        %swap3A_144 = vector.shape_cast %swap3A_143 : vector<1x16xf32> to vector<16xf32>
        %swap3A_145 = vector.shape_cast %add3A_140 : vector<16xf32> to vector<1x16xf32>
        tpu.vector_store %arg11[%swap3A_141, %swap3A_142], %swap3A_145 {strides = array<i32>} : memref<48x256xf32, #tpu.memory_space<vmem>>, vector<1x16xf32>,
        %get3A_146 = arith.index_cast %scan3A_99 : i32 to index
        %get3A_147 = arith.constant 48 : index
        %get3A_148 = tpu.vector_load %arg9[%get3A_146, %get3A_147] {strides = array<i32>} : memref<96x256xf32, #tpu.memory_space<vmem>>, vector<1x16xf32>,
        %get3A_149 = vector.shape_cast %get3A_148 : vector<1x16xf32> to vector<16xf32>
        %add3A_150 = arith.constant 48 : i32
        %add3A_151 = arith.addi %add3A_150, %scan3A_99 : i32
        %get3A_152 = arith.index_cast %add3A_151 : i32 to index
        %get3A_153 = arith.constant 48 : index
        %get3A_154 = tpu.vector_load %arg9[%get3A_152, %get3A_153] {strides = array<i32>} : memref<96x256xf32, #tpu.memory_space<vmem>>, vector<1x16xf32>,
        %get3A_155 = vector.shape_cast %get3A_154 : vector<1x16xf32> to vector<16xf32>
        %add3A_156 = arith.addf %get3A_149, %get3A_155 : vector<16xf32>
        %swap3A_157 = arith.index_cast %scan3A_99 : i32 to index
        %swap3A_158 = arith.constant 48 : index
        %swap3A_159 = tpu.vector_load %arg11[%swap3A_157, %swap3A_158] {strides = array<i32>} : memref<48x256xf32, #tpu.memory_space<vmem>>, vector<1x16xf32>,
        %swap3A_160 = vector.shape_cast %swap3A_159 : vector<1x16xf32> to vector<16xf32>
        %swap3A_161 = vector.shape_cast %add3A_156 : vector<16xf32> to vector<1x16xf32>
        tpu.vector_store %arg11[%swap3A_157, %swap3A_158], %swap3A_161 {strides = array<i32>} : memref<48x256xf32, #tpu.memory_space<vmem>>, vector<1x16xf32>,
        %get3A_162 = arith.index_cast %scan3A_99 : i32 to index
        %get3A_163 = arith.constant 64 : index
        %get3A_164 = tpu.vector_load %arg9[%get3A_162, %get3A_163] {strides = array<i32>} : memref<96x256xf32, #tpu.memory_space<vmem>>, vector<1x16xf32>,
        %get3A_165 = vector.shape_cast %get3A_164 : vector<1x16xf32> to vector<16xf32>
        %add3A_166 = arith.constant 48 : i32
        %add3A_167 = arith.addi %add3A_166, %scan3A_99 : i32
        %get3A_168 = arith.index_cast %add3A_167 : i32 to index
        %get3A_169 = arith.constant 64 : index
        %get3A_170 = tpu.vector_load %arg9[%get3A_168, %get3A_169] {strides = array<i32>} : memref<96x256xf32, #tpu.memory_space<vmem>>, vector<1x16xf32>,
        %get3A_171 = vector.shape_cast %get3A_170 : vector<1x16xf32> to vector<16xf32>
        %add3A_172 = arith.addf %get3A_165, %get3A_171 : vector<16xf32>
        %swap3A_173 = arith.index_cast %scan3A_99 : i32 to index
        %swap3A_174 = arith.constant 64 : index
        %swap3A_175 = tpu.vector_load %arg11[%swap3A_173, %swap3A_174] {strides = array<i32>} : memref<48x256xf32, #tpu.memory_space<vmem>>, vector<1x16xf32>,
        %swap3A_176 = vector.shape_cast %swap3A_175 : vector<1x16xf32> to vector<16xf32>
        %swap3A_177 = vector.shape_cast %add3A_172 : vector<16xf32> to vector<1x16xf32>
        tpu.vector_store %arg11[%swap3A_173, %swap3A_174], %swap3A_177 {strides = array<i32>} : memref<48x256xf32, #tpu.memory_space<vmem>>, vector<1x16xf32>,
        %get3A_178 = arith.index_cast %scan3A_99 : i32 to index
        %get3A_179 = arith.constant 80 : index
        %get3A_180 = tpu.vector_load %arg9[%get3A_178, %get3A_179] {strides = array<i32>} : memref<96x256xf32, #tpu.memory_space<vmem>>, vector<1x16xf32>,
        %get3A_181 = vector.shape_cast %get3A_180 : vector<1x16xf32> to vector<16xf32>
        %add3A_182 = arith.constant 48 : i32
        %add3A_183 = arith.addi %add3A_182, %scan3A_99 : i32
        %get3A_184 = arith.index_cast %add3A_183 : i32 to index
        %get3A_185 = arith.constant 80 : index
        %get3A_186 = tpu.vector_load %arg9[%get3A_184, %get3A_185] {strides = array<i32>} : memref<96x256xf32, #tpu.memory_space<vmem>>, vector<1x16xf32>,
        %get3A_187 = vector.shape_cast %get3A_186 : vector<1x16xf32> to vector<16xf32>
        %add3A_188 = arith.addf %get3A_181, %get3A_187 : vector<16xf32>
        %swap3A_189 = arith.index_cast %scan3A_99 : i32 to index
        %swap3A_190 = arith.constant 80 : index
        %swap3A_191 = tpu.vector_load %arg11[%swap3A_189, %swap3A_190] {strides = array<i32>} : memref<48x256xf32, #tpu.memory_space<vmem>>, vector<1x16xf32>,
        %swap3A_192 = vector.shape_cast %swap3A_191 : vector<1x16xf32> to vector<16xf32>
        %swap3A_193 = vector.shape_cast %add3A_188 : vector<16xf32> to vector<1x16xf32>
        tpu.vector_store %arg11[%swap3A_189, %swap3A_190], %swap3A_193 {strides = array<i32>} : memref<48x256xf32, #tpu.memory_space<vmem>>, vector<1x16xf32>,
        %get3A_194 = arith.index_cast %scan3A_99 : i32 to index
        %get3A_195 = arith.constant 96 : index
        %get3A_196 = tpu.vector_load %arg9[%get3A_194, %get3A_195] {strides = array<i32>} : memref<96x256xf32, #tpu.memory_space<vmem>>, vector<1x16xf32>,
        %get3A_197 = vector.shape_cast %get3A_196 : vector<1x16xf32> to vector<16xf32>
        %add3A_198 = arith.constant 48 : i32
        %add3A_199 = arith.addi %add3A_198, %scan3A_99 : i32
        %get3A_200 = arith.index_cast %add3A_199 : i32 to index
        %get3A_201 = arith.constant 96 : index
        %get3A_202 = tpu.vector_load %arg9[%get3A_200, %get3A_201] {strides = array<i32>} : memref<96x256xf32, #tpu.memory_space<vmem>>, vector<1x16xf32>,
        %get3A_203 = vector.shape_cast %get3A_202 : vector<1x16xf32> to vector<16xf32>
        %add3A_204 = arith.addf %get3A_197, %get3A_203 : vector<16xf32>
        %swap3A_205 = arith.index_cast %scan3A_99 : i32 to index
        %swap3A_206 = arith.constant 96 : index
        %swap3A_207 = tpu.vector_load %arg11[%swap3A_205, %swap3A_206] {strides = array<i32>} : memref<48x256xf32, #tpu.memory_space<vmem>>, vector<1x16xf32>,
        %swap3A_208 = vector.shape_cast %swap3A_207 : vector<1x16xf32> to vector<16xf32>
        %swap3A_209 = vector.shape_cast %add3A_204 : vector<16xf32> to vector<1x16xf32>
        tpu.vector_store %arg11[%swap3A_205, %swap3A_206], %swap3A_209 {strides = array<i32>} : memref<48x256xf32, #tpu.memory_space<vmem>>, vector<1x16xf32>,
        %get3A_210 = arith.index_cast %scan3A_99 : i32 to index
        %get3A_211 = arith.constant 112 : index
        %get3A_212 = tpu.vector_load %arg9[%get3A_210, %get3A_211] {strides = array<i32>} : memref<96x256xf32, #tpu.memory_space<vmem>>, vector<1x16xf32>,
        %get3A_213 = vector.shape_cast %get3A_212 : vector<1x16xf32> to vector<16xf32>
        %add3A_214 = arith.constant 48 : i32
        %add3A_215 = arith.addi %add3A_214, %scan3A_99 : i32
        %get3A_216 = arith.index_cast %add3A_215 : i32 to index
        %get3A_217 = arith.constant 112 : index
        %get3A_218 = tpu.vector_load %arg9[%get3A_216, %get3A_217] {strides = array<i32>} : memref<96x256xf32, #tpu.memory_space<vmem>>, vector<1x16xf32>,
        %get3A_219 = vector.shape_cast %get3A_218 : vector<1x16xf32> to vector<16xf32>
        %add3A_220 = arith.addf %get3A_213, %get3A_219 : vector<16xf32>
        %swap3A_221 = arith.index_cast %scan3A_99 : i32 to index
        %swap3A_222 = arith.constant 112 : index
        %swap3A_223 = tpu.vector_load %arg11[%swap3A_221, %swap3A_222] {strides = array<i32>} : memref<48x256xf32, #tpu.memory_space<vmem>>, vector<1x16xf32>,
        %swap3A_224 = vector.shape_cast %swap3A_223 : vector<1x16xf32> to vector<16xf32>
        %swap3A_225 = vector.shape_cast %add3A_220 : vector<16xf32> to vector<1x16xf32>
        tpu.vector_store %arg11[%swap3A_221, %swap3A_222], %swap3A_225 {strides = array<i32>} : memref<48x256xf32, #tpu.memory_space<vmem>>, vector<1x16xf32>,
        %get3A_226 = arith.index_cast %scan3A_99 : i32 to index
        %get3A_227 = arith.constant 128 : index
        %get3A_228 = tpu.vector_load %arg9[%get3A_226, %get3A_227] {strides = array<i32>} : memref<96x256xf32, #tpu.memory_space<vmem>>, vector<1x16xf32>,
        %get3A_229 = vector.shape_cast %get3A_228 : vector<1x16xf32> to vector<16xf32>
        %add3A_230 = arith.constant 48 : i32
        %add3A_231 = arith.addi %add3A_230, %scan3A_99 : i32
        %get3A_232 = arith.index_cast %add3A_231 : i32 to index
        %get3A_233 = arith.constant 128 : index
        %get3A_234 = tpu.vector_load %arg9[%get3A_232, %get3A_233] {strides = array<i32>} : memref<96x256xf32, #tpu.memory_space<vmem>>, vector<1x16xf32>,
        %get3A_235 = vector.shape_cast %get3A_234 : vector<1x16xf32> to vector<16xf32>
        %add3A_236 = arith.addf %get3A_229, %get3A_235 : vector<16xf32>
        %swap3A_237 = arith.index_cast %scan3A_99 : i32 to index
        %swap3A_238 = arith.constant 128 : index
        %swap3A_239 = tpu.vector_load %arg11[%swap3A_237, %swap3A_238] {strides = array<i32>} : memref<48x256xf32, #tpu.memory_space<vmem>>, vector<1x16xf32>,
        %swap3A_240 = vector.shape_cast %swap3A_239 : vector<1x16xf32> to vector<16xf32>
        %swap3A_241 = vector.shape_cast %add3A_236 : vector<16xf32> to vector<1x16xf32>
        tpu.vector_store %arg11[%swap3A_237, %swap3A_238], %swap3A_241 {strides = array<i32>} : memref<48x256xf32, #tpu.memory_space<vmem>>, vector<1x16xf32>,
        %get3A_242 = arith.index_cast %scan3A_99 : i32 to index
        %get3A_243 = arith.constant 144 : index
        %get3A_244 = tpu.vector_load %arg9[%get3A_242, %get3A_243] {strides = array<i32>} : memref<96x256xf32, #tpu.memory_space<vmem>>, vector<1x16xf32>,
        %get3A_245 = vector.shape_cast %get3A_244 : vector<1x16xf32> to vector<16xf32>
        %add3A_246 = arith.constant 48 : i32
        %add3A_247 = arith.addi %add3A_246, %scan3A_99 : i32
        %get3A_248 = arith.index_cast %add3A_247 : i32 to index
        %get3A_249 = arith.constant 144 : index
        %get3A_250 = tpu.vector_load %arg9[%get3A_248, %get3A_249] {strides = array<i32>} : memref<96x256xf32, #tpu.memory_space<vmem>>, vector<1x16xf32>,
        %get3A_251 = vector.shape_cast %get3A_250 : vector<1x16xf32> to vector<16xf32>
        %add3A_252 = arith.addf %get3A_245, %get3A_251 : vector<16xf32>
        %swap3A_253 = arith.index_cast %scan3A_99 : i32 to index
        %swap3A_254 = arith.constant 144 : index
        %swap3A_255 = tpu.vector_load %arg11[%swap3A_253, %swap3A_254] {strides = array<i32>} : memref<48x256xf32, #tpu.memory_space<vmem>>, vector<1x16xf32>,
        %swap3A_256 = vector.shape_cast %swap3A_255 : vector<1x16xf32> to vector<16xf32>
        %swap3A_257 = vector.shape_cast %add3A_252 : vector<16xf32> to vector<1x16xf32>
        tpu.vector_store %arg11[%swap3A_253, %swap3A_254], %swap3A_257 {strides = array<i32>} : memref<48x256xf32, #tpu.memory_space<vmem>>, vector<1x16xf32>,
        %get3A_258 = arith.index_cast %scan3A_99 : i32 to index
        %get3A_259 = arith.constant 160 : index
        %get3A_260 = tpu.vector_load %arg9[%get3A_258, %get3A_259] {strides = array<i32>} : memref<96x256xf32, #tpu.memory_space<vmem>>, vector<1x16xf32>,
        %get3A_261 = vector.shape_cast %get3A_260 : vector<1x16xf32> to vector<16xf32>
        %add3A_262 = arith.constant 48 : i32
        %add3A_263 = arith.addi %add3A_262, %scan3A_99 : i32
        %get3A_264 = arith.index_cast %add3A_263 : i32 to index
        %get3A_265 = arith.constant 160 : index
        %get3A_266 = tpu.vector_load %arg9[%get3A_264, %get3A_265] {strides = array<i32>} : memref<96x256xf32, #tpu.memory_space<vmem>>, vector<1x16xf32>,
        %get3A_267 = vector.shape_cast %get3A_266 : vector<1x16xf32> to vector<16xf32>
        %add3A_268 = arith.addf %get3A_261, %get3A_267 : vector<16xf32>
        %swap3A_269 = arith.index_cast %scan3A_99 : i32 to index
        %swap3A_270 = arith.constant 160 : index
        %swap3A_271 = tpu.vector_load %arg11[%swap3A_269, %swap3A_270] {strides = array<i32>} : memref<48x256xf32, #tpu.memory_space<vmem>>, vector<1x16xf32>,
        %swap3A_272 = vector.shape_cast %swap3A_271 : vector<1x16xf32> to vector<16xf32>
        %swap3A_273 = vector.shape_cast %add3A_268 : vector<16xf32> to vector<1x16xf32>
        tpu.vector_store %arg11[%swap3A_269, %swap3A_270], %swap3A_273 {strides = array<i32>} : memref<48x256xf32, #tpu.memory_space<vmem>>, vector<1x16xf32>,
        %get3A_274 = arith.index_cast %scan3A_99 : i32 to index
        %get3A_275 = arith.constant 176 : index
        %get3A_276 = tpu.vector_load %arg9[%get3A_274, %get3A_275] {strides = array<i32>} : memref<96x256xf32, #tpu.memory_space<vmem>>, vector<1x16xf32>,
        %get3A_277 = vector.shape_cast %get3A_276 : vector<1x16xf32> to vector<16xf32>
        %add3A_278 = arith.constant 48 : i32
        %add3A_279 = arith.addi %add3A_278, %scan3A_99 : i32
        %get3A_280 = arith.index_cast %add3A_279 : i32 to index
        %get3A_281 = arith.constant 176 : index
        %get3A_282 = tpu.vector_load %arg9[%get3A_280, %get3A_281] {strides = array<i32>} : memref<96x256xf32, #tpu.memory_space<vmem>>, vector<1x16xf32>,
        %get3A_283 = vector.shape_cast %get3A_282 : vector<1x16xf32> to vector<16xf32>
        %add3A_284 = arith.addf %get3A_277, %get3A_283 : vector<16xf32>
        %swap3A_285 = arith.index_cast %scan3A_99 : i32 to index
        %swap3A_286 = arith.constant 176 : index
        %swap3A_287 = tpu.vector_load %arg11[%swap3A_285, %swap3A_286] {strides = array<i32>} : memref<48x256xf32, #tpu.memory_space<vmem>>, vector<1x16xf32>,
        %swap3A_288 = vector.shape_cast %swap3A_287 : vector<1x16xf32> to vector<16xf32>
        %swap3A_289 = vector.shape_cast %add3A_284 : vector<16xf32> to vector<1x16xf32>
        tpu.vector_store %arg11[%swap3A_285, %swap3A_286], %swap3A_289 {strides = array<i32>} : memref<48x256xf32, #tpu.memory_space<vmem>>, vector<1x16xf32>,
        %get3A_290 = arith.index_cast %scan3A_99 : i32 to index
        %get3A_291 = arith.constant 192 : index
        %get3A_292 = tpu.vector_load %arg9[%get3A_290, %get3A_291] {strides = array<i32>} : memref<96x256xf32, #tpu.memory_space<vmem>>, vector<1x16xf32>,
        %get3A_293 = vector.shape_cast %get3A_292 : vector<1x16xf32> to vector<16xf32>
        %add3A_294 = arith.constant 48 : i32
        %add3A_295 = arith.addi %add3A_294, %scan3A_99 : i32
        %get3A_296 = arith.index_cast %add3A_295 : i32 to index
        %get3A_297 = arith.constant 192 : index
        %get3A_298 = tpu.vector_load %arg9[%get3A_296, %get3A_297] {strides = array<i32>} : memref<96x256xf32, #tpu.memory_space<vmem>>, vector<1x16xf32>,
        %get3A_299 = vector.shape_cast %get3A_298 : vector<1x16xf32> to vector<16xf32>
        %add3A_300 = arith.addf %get3A_293, %get3A_299 : vector<16xf32>
        %swap3A_301 = arith.index_cast %scan3A_99 : i32 to index
        %swap3A_302 = arith.constant 192 : index
        %swap3A_303 = tpu.vector_load %arg11[%swap3A_301, %swap3A_302] {strides = array<i32>} : memref<48x256xf32, #tpu.memory_space<vmem>>, vector<1x16xf32>,
        %swap3A_304 = vector.shape_cast %swap3A_303 : vector<1x16xf32> to vector<16xf32>
        %swap3A_305 = vector.shape_cast %add3A_300 : vector<16xf32> to vector<1x16xf32>
        tpu.vector_store %arg11[%swap3A_301, %swap3A_302], %swap3A_305 {strides = array<i32>} : memref<48x256xf32, #tpu.memory_space<vmem>>, vector<1x16xf32>,
        %get3A_306 = arith.index_cast %scan3A_99 : i32 to index
        %get3A_307 = arith.constant 208 : index
        %get3A_308 = tpu.vector_load %arg9[%get3A_306, %get3A_307] {strides = array<i32>} : memref<96x256xf32, #tpu.memory_space<vmem>>, vector<1x16xf32>,
        %get3A_309 = vector.shape_cast %get3A_308 : vector<1x16xf32> to vector<16xf32>
        %add3A_310 = arith.constant 48 : i32
        %add3A_311 = arith.addi %add3A_310, %scan3A_99 : i32
        %get3A_312 = arith.index_cast %add3A_311 : i32 to index
        %get3A_313 = arith.constant 208 : index
        %get3A_314 = tpu.vector_load %arg9[%get3A_312, %get3A_313] {strides = array<i32>} : memref<96x256xf32, #tpu.memory_space<vmem>>, vector<1x16xf32>,
        %get3A_315 = vector.shape_cast %get3A_314 : vector<1x16xf32> to vector<16xf32>
        %add3A_316 = arith.addf %get3A_309, %get3A_315 : vector<16xf32>
        %swap3A_317 = arith.index_cast %scan3A_99 : i32 to index
        %swap3A_318 = arith.constant 208 : index
        %swap3A_319 = tpu.vector_load %arg11[%swap3A_317, %swap3A_318] {strides = array<i32>} : memref<48x256xf32, #tpu.memory_space<vmem>>, vector<1x16xf32>,
        %swap3A_320 = vector.shape_cast %swap3A_319 : vector<1x16xf32> to vector<16xf32>
        %swap3A_321 = vector.shape_cast %add3A_316 : vector<16xf32> to vector<1x16xf32>
        tpu.vector_store %arg11[%swap3A_317, %swap3A_318], %swap3A_321 {strides = array<i32>} : memref<48x256xf32, #tpu.memory_space<vmem>>, vector<1x16xf32>,
        %get3A_322 = arith.index_cast %scan3A_99 : i32 to index
        %get3A_323 = arith.constant 224 : index
        %get3A_324 = tpu.vector_load %arg9[%get3A_322, %get3A_323] {strides = array<i32>} : memref<96x256xf32, #tpu.memory_space<vmem>>, vector<1x16xf32>,
        %get3A_325 = vector.shape_cast %get3A_324 : vector<1x16xf32> to vector<16xf32>
        %add3A_326 = arith.constant 48 : i32
        %add3A_327 = arith.addi %add3A_326, %scan3A_99 : i32
        %get3A_328 = arith.index_cast %add3A_327 : i32 to index
        %get3A_329 = arith.constant 224 : index
        %get3A_330 = tpu.vector_load %arg9[%get3A_328, %get3A_329] {strides = array<i32>} : memref<96x256xf32, #tpu.memory_space<vmem>>, vector<1x16xf32>,
        %get3A_331 = vector.shape_cast %get3A_330 : vector<1x16xf32> to vector<16xf32>
        %add3A_332 = arith.addf %get3A_325, %get3A_331 : vector<16xf32>
        %swap3A_333 = arith.index_cast %scan3A_99 : i32 to index
        %swap3A_334 = arith.constant 224 : index
        %swap3A_335 = tpu.vector_load %arg11[%swap3A_333, %swap3A_334] {strides = array<i32>} : memref<48x256xf32, #tpu.memory_space<vmem>>, vector<1x16xf32>,
        %swap3A_336 = vector.shape_cast %swap3A_335 : vector<1x16xf32> to vector<16xf32>
        %swap3A_337 = vector.shape_cast %add3A_332 : vector<16xf32> to vector<1x16xf32>
        tpu.vector_store %arg11[%swap3A_333, %swap3A_334], %swap3A_337 {strides = array<i32>} : memref<48x256xf32, #tpu.memory_space<vmem>>, vector<1x16xf32>,
        %get3A_338 = arith.index_cast %scan3A_99 : i32 to index
        %get3A_339 = arith.constant 240 : index
        %get3A_340 = tpu.vector_load %arg9[%get3A_338, %get3A_339] {strides = array<i32>} : memref<96x256xf32, #tpu.memory_space<vmem>>, vector<1x16xf32>,
        %get3A_341 = vector.shape_cast %get3A_340 : vector<1x16xf32> to vector<16xf32>
        %add3A_342 = arith.constant 48 : i32
        %add3A_343 = arith.addi %add3A_342, %scan3A_99 : i32
        %get3A_344 = arith.index_cast %add3A_343 : i32 to index
        %get3A_345 = arith.constant 240 : index
        %get3A_346 = tpu.vector_load %arg9[%get3A_344, %get3A_345] {strides = array<i32>} : memref<96x256xf32, #tpu.memory_space<vmem>>, vector<1x16xf32>,
        %get3A_347 = vector.shape_cast %get3A_346 : vector<1x16xf32> to vector<16xf32>
        %add3A_348 = arith.addf %get3A_341, %get3A_347 : vector<16xf32>
        %swap3A_349 = arith.index_cast %scan3A_99 : i32 to index
        %swap3A_350 = arith.constant 240 : index
        %swap3A_351 = tpu.vector_load %arg11[%swap3A_349, %swap3A_350] {strides = array<i32>} : memref<48x256xf32, #tpu.memory_space<vmem>>, vector<1x16xf32>,
        %swap3A_352 = vector.shape_cast %swap3A_351 : vector<1x16xf32> to vector<16xf32>
        %swap3A_353 = vector.shape_cast %add3A_348 : vector<16xf32> to vector<1x16xf32>
        tpu.vector_store %arg11[%swap3A_349, %swap3A_350], %swap3A_353 {strides = array<i32>} : memref<48x256xf32, #tpu.memory_space<vmem>>, vector<1x16xf32>,
      }
      %scan3A_85 = arith.constant 48 : i32
      %add3A_86 = arith.constant 2 : i32
      %add3A_87 = arith.addi %add3A_67, %add3A_86 : i32
      %lt3A_88 = arith.constant 150 : i32
      %lt3A_89 = arith.cmpi slt, %add3A_87, %lt3A_88 : i32
      %convert_element_type3A_90 = arith.extui %lt3A_89 : i1 to i32
      %cond3A_91 = arith.constant 0 : i32
      %cond3A_92 = arith.cmpi ne, %convert_element_type3A_90, %cond3A_91 : i32
      scf.if %cond3A_92 {
        %add3A_99 = arith.constant 2 : i32
        %add3A_100 = arith.addi %add3A_67, %add3A_99 : i32
        %dma_start3A_101 = arith.constant 0 : i32
        %dma_start3A_102 = tpu.memref_slice %arg6[%add3A_100, %dma_start3A_101] : memref<150x96xi32, #tpu.memory_space<vmem>> -> memref<1x96xi32, #tpu.memory_space<vmem>>
        %dma_start3A_103 = tpu.memref_squeeze %dma_start3A_102 : memref<1x96xi32, #tpu.memory_space<vmem>> -> memref<96xi32, #tpu.memory_space<vmem>>
        %dma_start3A_104 = arith.constant 0 : i32
        %dma_start3A_105 = arith.constant 0 : i32
        %dma_start3A_106 = tpu.memref_slice %arg2[%dma_start3A_104, %dma_start3A_105] : memref<119200x256xf32, #tpu.memory_space<hbm>> -> memref<119200x256xf32, #tpu.memory_space<hbm>>
        tpu.enqueue_indirect_dma source(%dma_start3A_106 : memref<119200x256xf32, #tpu.memory_space<hbm>>) target(%arg9 : memref<96x256xf32, #tpu.memory_space<vmem>>) offsets(%dma_start3A_103 : memref<96xi32, #tpu.memory_space<vmem>>) semaphore(%arg13 : memref<!tpu.dma_semaphore, #tpu.memory_space<semaphore_mem>>)
      } else {
      }
      %dma_start3A_93 = arith.constant 0 : i32
      %dma_start3A_94 = tpu.memref_slice %arg7[%add3A_67, %dma_start3A_93] : memref<150x48xi32, #tpu.memory_space<vmem>> -> memref<1x48xi32, #tpu.memory_space<vmem>>
      %dma_start3A_95 = tpu.memref_squeeze %dma_start3A_94 : memref<1x48xi32, #tpu.memory_space<vmem>> -> memref<48xi32, #tpu.memory_space<vmem>>
      %dma_start3A_96 = arith.constant 0 : i32
      %dma_start3A_97 = arith.constant 0 : i32
      %dma_start3A_98 = tpu.memref_slice %arg5[%dma_start3A_96, %dma_start3A_97] : memref<230400x256xf32, #tpu.memory_space<hbm>> -> memref<230400x256xf32, #tpu.memory_space<hbm>>
      tpu.enqueue_indirect_dma source(%arg11 : memref<48x256xf32, #tpu.memory_space<vmem>>) target(%dma_start3A_98 : memref<230400x256xf32, #tpu.memory_space<hbm>>) offsets(%dma_start3A_95 : memref<48xi32, #tpu.memory_space<vmem>>) semaphore(%arg15 : memref<!tpu.dma_semaphore, #tpu.memory_space<semaphore_mem>>)
    }
    %scan3A_18 = arith.constant 75 : i32
    %dma_wait3A = arith.constant 0 : i32
    %dma_wait3A_19 = arith.constant 0 : i32
    %dma_wait3A_20 = tpu.memref_slice %arg7[%dma_wait3A, %dma_wait3A_19] : memref<150x48xi32, #tpu.memory_space<vmem>> -> memref<1x48xi32, #tpu.memory_space<vmem>>
    %dma_wait3A_21 = tpu.memref_squeeze %dma_wait3A_20 : memref<1x48xi32, #tpu.memory_space<vmem>> -> memref<48xi32, #tpu.memory_space<vmem>>
    %dma_wait3A_22 = arith.constant 0 : i32
    %dma_wait3A_23 = arith.constant 0 : i32
    %dma_wait3A_24 = tpu.memref_slice %arg5[%dma_wait3A_22, %dma_wait3A_23] : memref<230400x256xf32, #tpu.memory_space<hbm>> -> memref<230400x256xf32, #tpu.memory_space<hbm>>
    tpu.wait_indirect_dma semaphore(%arg14 : memref<!tpu.dma_semaphore, #tpu.memory_space<semaphore_mem>>) src(%arg10 : memref<48x256xf32, #tpu.memory_space<vmem>>) dst(%dma_wait3A_24 : memref<230400x256xf32, #tpu.memory_space<hbm>>)
    %dma_wait3A_25 = arith.constant 0 : i32
    %dma_wait3A_26 = arith.constant 0 : i32
    %dma_wait3A_27 = tpu.memref_slice %arg7[%dma_wait3A_25, %dma_wait3A_26] : memref<150x48xi32, #tpu.memory_space<vmem>> -> memref<1x48xi32, #tpu.memory_space<vmem>>
    %dma_wait3A_28 = tpu.memref_squeeze %dma_wait3A_27 : memref<1x48xi32, #tpu.memory_space<vmem>> -> memref<48xi32, #tpu.memory_space<vmem>>
    %dma_wait3A_29 = arith.constant 0 : i32
    %dma_wait3A_30 = arith.constant 0 : i32
    %dma_wait3A_31 = tpu.memref_slice %arg5[%dma_wait3A_29, %dma_wait3A_30] : memref<230400x256xf32, #tpu.memory_space<hbm>> -> memref<230400x256xf32, #tpu.memory_space<hbm>>
    tpu.wait_indirect_dma semaphore(%arg15 : memref<!tpu.dma_semaphore, #tpu.memory_space<semaphore_mem>>) src(%arg11 : memref<48x256xf32, #tpu.memory_space<vmem>>) dst(%dma_wait3A_31 : memref<230400x256xf32, #tpu.memory_space<hbm>>)
    return
  }
}

module attributes {stable_mosaic.version = 14 : i64} {
  func.func @body(%arg0: i32, %arg1: memref<1x4762x256xf32, #tpu.memory_space<vmem>>, %arg2: memref<4762x256xf32, #tpu.memory_space<vmem>>, %arg3: memref<1x4768x256xf32, #tpu.memory_space<vmem>>) attributes {dimension_semantics = [#tpu.dimension_semantics<arbitrary>], iteration_bounds = array<i64: 25>, scalar_prefetch = 0 : i64, scratch_operands = 0 : i64, tpu.core_type = #tpu.core_type<tc>, window_params = [{transform_indices = @transform_0, window_bounds = array<i64: 1, 4762, 256>}, {pipeline_mode = #tpu.pipeline_mode<synchronous>, transform_indices = @transform_1, window_bounds = array<i64: 4762, 256>}, {transform_indices = @transform_2, window_bounds = array<i64: 1, 4768, 256>}]} {
    %get3A = arith.constant 0 : index
    %get3A_0 = arith.constant 0 : index
    %get3A_1 = arith.constant 0 : index
    %get3A_2 = vector.load %arg1[%get3A, %get3A_0, %get3A_1] : memref<1x4762x256xf32, #tpu.memory_space<vmem>>, vector<1x4762x256xf32>
    %get3A_3 = vector.shape_cast %get3A_2 : vector<1x4762x256xf32> to vector<4762x256xf32>
    %get3A_4 = arith.constant 0 : index
    %get3A_5 = arith.constant 0 : index
    %get3A_6 = vector.load %arg2[%get3A_4, %get3A_5] : memref<4762x256xf32, #tpu.memory_space<vmem>>, vector<4762x256xf32>
    %add3A = arith.addf %get3A_3, %get3A_6 : vector<4762x256xf32>
    %swap3A = arith.constant 0 : index
    %swap3A_7 = arith.constant 0 : index
    %swap3A_8 = arith.constant 0 : index
    %swap3A_9 = vector.load %arg3[%swap3A, %swap3A_7, %swap3A_8] : memref<1x4768x256xf32, #tpu.memory_space<vmem>>, vector<1x4762x256xf32>
    %swap3A_10 = vector.shape_cast %swap3A_9 : vector<1x4762x256xf32> to vector<4762x256xf32>
    %swap3A_11 = vector.shape_cast %add3A : vector<4762x256xf32> to vector<1x4762x256xf32>
    tpu.vector_store %arg3[%swap3A, %swap3A_7, %swap3A_8], %swap3A_11 {strides = array<i32>} : memref<1x4768x256xf32, #tpu.memory_space<vmem>>, vector<1x4762x256xf32>,
    %broadcast_in_dim3A = arith.constant 0.000000e+00 : f32
    %broadcast_in_dim3A_12 = vector.broadcast %broadcast_in_dim3A : f32 to vector<6x256xf32>
    %swap3A_13 = arith.constant 0 : index
    %swap3A_14 = arith.constant 4762 : index
    %swap3A_15 = arith.constant 0 : index
    %swap3A_16 = vector.load %arg3[%swap3A_13, %swap3A_14, %swap3A_15] : memref<1x4768x256xf32, #tpu.memory_space<vmem>>, vector<1x6x256xf32>
    %swap3A_17 = vector.shape_cast %swap3A_16 : vector<1x6x256xf32> to vector<6x256xf32>
    %swap3A_18 = vector.shape_cast %broadcast_in_dim3A_12 : vector<6x256xf32> to vector<1x6x256xf32>
    tpu.vector_store %arg3[%swap3A_13, %swap3A_14, %swap3A_15], %swap3A_18 {strides = array<i32>} : memref<1x4768x256xf32, #tpu.memory_space<vmem>>, vector<1x6x256xf32>,
    return
  }
  func.func @transform_0(%arg0: i32) -> (i32, i32, i32) {
    %c0_i32 = arith.constant 0 : i32
    %c0_i32_0 = arith.constant 0 : i32
    %c0_i32_1 = arith.constant 0 : i32
    return %arg0, %c0_i32, %c0_i32_0 : i32, i32, i32
  }
  func.func @transform_1(%arg0: i32) -> (i32, i32) {
    %c0_i32 = arith.constant 0 : i32
    %c0_i32_0 = arith.constant 0 : i32
    %c0_i32_1 = arith.constant 0 : i32
    return %c0_i32, %c0_i32_0 : i32, i32
  }
  func.func @transform_2(%arg0: i32) -> (i32, i32, i32) {
    %c0_i32 = arith.constant 0 : i32
    %c0_i32_0 = arith.constant 0 : i32
    %c0_i32_1 = arith.constant 0 : i32
    return %arg0, %c0_i32, %c0_i32_0 : i32, i32, i32
  }
}

</mosaic_0001>

<sc_bundles>
// kernel: kernel.4.cloned.1.call-start
scs
__scs_entry_jumppad:
0x0: {  	(pc) =	sbr.rel $0x88, $3  }
0x1: {  	(tag) =	ssettag $0x0;
	lr =	simm.s32 $0x1  }
0x2: {  	[smem:$0x3F9D] =	sst lr;
	_ =	strace $0xD0000000  }
0x3: {  	_ = 	snop  }
0x4: {  	_ = 	snop  }
0x5: {  	_ = 	snop  }
0x6: {  	_ = 	snop  }
0x7: {  	_ = 	snop  }
__scs_overlays_trampoline_lowered:
0x8: {  	[smem:$0x3FAC] =	sst s0  }
0x9: {  	[smem:$0x3FAD] =	sst s1  }
0xa: {  	[smem:$0x3FAE] =	sst s2  }
0xb: {  	[smem:$0x3FAF] =	sst s3  }
0xc: {  	[smem:$0x3FB0] =	sst s4  }
0xd: {  	[smem:$0x3FB1] =	sst s5  }
0xe: {  	[smem:$0x3FB2] =	sst s6  }
0xf: {  	[smem:$0x3FB3] =	sst s7  }
0x10: {  	[smem:$0x3FB4] =	sst s8  }
0x11: {  	[smem:$0x3FB5] =	sst s9;
	s0 =	simm.s32 @!p0 $0x0  }
0x12: {  	s1 =	sld [smem:$0x3F9B];
	s0 =	simm.s32 @p0 $0x1  }
0x13: {  	[smem:$0x3FB6] =	sst s0;
	s0 =	simm.s32 @!p1 $0x0  }
0x14: {  	s2 =	sld [smem:$0x3F9A];
	s0 =	simm.s32 @p1 $0x1  }
0x15: {  	[smem:$0x3FB7] =	sst s0;
	s0 =	simm.s32 @!p2 $0x0  }
0x16: {  	s3 =	sld [smem:$0x3FDB];
	s0 =	simm.s32 @p2 $0x1  }
0x17: {  	s4 =	simm.s32 $0x1BF5;
	[smem:$0x3FB9] =	sst s0  }
0x18: {  	s0 =	sld [smem:$0x3F9C];
	_ =	swait.ge [sflag:s4], $0x0  }
0x19: {  	s7 =	sld [smem:$0x3F9D]  }
0x1a: {  	s8 =	sadd.s32 $0xFFFFE003, lr  }
0x1b: {  	s9 =	sadd.s32 $0xFFFFFEF7, lr;
	s5 =	simm.s32 $0xFFFFFFFF;
	p2 =	slt.u32 s8, $0xFFFFF086  }
0x1c: {  	p1 =	slt.u32 s9, $0xF7A;
	s5 =	simm.s32 @!p2 $0x0  }
0x1d: {  	s5 =	simm.s32 @p1 $0x1;
	p0 =	seq.s32 s7, s2  }
0x1e: {  	s7 =	smul.u32 @!p0 $0xF7A, s2;
	p2 =	seq.s32 @!p0 s5, $0x0  }
0x1f: {  	s9 =	smul.u32 $0xF7A, s1;
	s8 =	simm.s32 @!p0 $0x1BF5;
	p2 =	por !p2, p0  }
0x20: {  	[sflag:s8] =	ssyncset.s32 @!p0 $0xFFFFF086;
	s6 =	sadd.s32 @!p0 s3, s7;
	s7 =	simm.s32 @!p0 $0x108  }
0x21: {  	s3 =	sadd.s32 s3, s9;
	s6 =	sadd.s32 @!p0 $0x88, s6;
	s7 =	simm.s32 @p2 $0x1082  }
0x22: {  	[simem:s7], [sflag:s8] =	dma.local @!p0 [hbm:s6], $0xF7A  }
0x23: {  	s9 =	sor.u32 $0xD0000000, s2;
	s6 =	simm.s32 $0x108;
	_ =	swait.ge @!p0 [sflag:s8], $0x0  }
0x24: {  	s3 =	sadd.s32 $0x88, s3;
	s6 =	simm.s32 @!p1 $0x1082;
	[sflag:s4] =	ssyncset.s32 $0xFFFFF086  }
0x25: {  	[simem:s6], [sflag:s4] =	dma.local [hbm:s3], $0xF7A  }
0x26: {  	[smem:$0x3F9D] =	sst s1;
	(tag) =	ssettag s2;
	_ =	strace s9  }
0x27: {  	s1 =	sld [smem:$0x3FAD]  }
0x28: {  	s2 =	sld [smem:$0x3FAE]  }
0x29: {  	s4 =	sld [smem:$0x3FB0]  }
0x2a: {  	p0 =	seq.s32 s5, $0x0;
	s5 =	sld [smem:$0x3FB1]  }
0x2b: {  	s6 =	sld [smem:$0x3FB2]  }
0x2c: {  	s7 =	sld [smem:$0x3FB3]  }
0x2d: {  	s3 =	simm.s32 $0x108;
	s8 =	sld [smem:$0x3FB4]  }
0x2e: {  	s3 =	simm.s32 @!p0 $0x1082;
	s9 =	sld [smem:$0x3FB5]  }
0x2f: {  	lr =	sadd.s32 s0, s3;
	s0 =	sld [smem:$0x3FAC]  }
0x30: {  	s3 =	sld [smem:$0x3FAF]  }
0x31: {  	[smem:$0x3FB8] =	sst s10  }
0x32: {  	s10 =	sld [smem:$0x3FB6];
	_ =	sdelay $0x3  }
0x33: {  	p0 =	seq.s32 s10, $0x1;
	s10 =	sld [smem:$0x3FB8];
	_ =	sdelay $0x3  }
0x34: {  	[smem:$0x3FB8] =	sst s10  }
0x35: {  	s10 =	sld [smem:$0x3FB7];
	_ =	sdelay $0x3  }
0x36: {  	p1 =	seq.s32 s10, $0x1;
	s10 =	sld [smem:$0x3FB8];
	_ =	sdelay $0x3  }
0x37: {  	[smem:$0x3FB8] =	sst s10  }
0x38: {  	s10 =	sld [smem:$0x3FB9]  }
0x39: {  	_ = 	snop;
	(pc) =	sbr.ind lr, $3  }
0x3a: {  	_ = 	snop  }
0x3b: {  	_ = 	snop  }
0x3c: {  	p2 =	seq.s32 s10, $0x1;
	s10 =	sld [smem:$0x3FB8]  }
0x3d: {  	_ =	shalt  }
0x3e: {  	_ =	shalt  }
0x3f: {  	_ =	shalt  }
0x40: {  	_ =	shalt  }
0x41: {  	_ =	shalt  }
0x42: {  	_ =	shalt  }
0x43: {  	_ =	shalt  }
0x44: {  	_ =	shalt  }
0x45: {  	_ =	shalt  }
0x46: {  	_ =	shalt  }
0x47: {  	_ =	shalt  }
0x48: {  	_ =	shalt  }
0x49: {  	_ =	shalt  }
0x4a: {  	_ =	shalt  }
0x4b: {  	_ =	shalt  }
0x4c: {  	_ =	shalt  }
0x4d: {  	_ =	shalt  }
0x4e: {  	_ =	shalt  }
0x4f: {  	_ =	shalt  }
0x50: {  	_ =	shalt  }
0x51: {  	_ =	shalt  }
0x52: {  	_ =	shalt  }
0x53: {  	_ =	shalt  }
0x54: {  	_ =	shalt  }
0x55: {  	_ =	shalt  }
0x56: {  	_ =	shalt  }
0x57: {  	_ =	shalt  }
0x58: {  	_ =	shalt  }
0x59: {  	_ =	shalt  }
0x5a: {  	_ =	shalt  }
0x5b: {  	_ =	shalt  }
0x5c: {  	_ =	shalt  }
0x5d: {  	_ =	shalt  }
0x5e: {  	_ =	shalt  }
0x5f: {  	_ =	shalt  }
0x60: {  	_ =	shalt  }
0x61: {  	_ =	shalt  }
0x62: {  	_ =	shalt  }
0x63: {  	_ =	shalt  }
0x64: {  	_ =	shalt  }
0x65: {  	_ =	shalt  }
0x66: {  	_ =	shalt  }
0x67: {  	_ =	shalt  }
0x68: {  	_ =	shalt  }
0x69: {  	_ =	shalt  }
0x6a: {  	_ =	shalt  }
0x6b: {  	_ =	shalt  }
0x6c: {  	_ =	shalt  }
0x6d: {  	_ =	shalt  }
0x6e: {  	_ =	shalt  }
0x6f: {  	_ =	shalt  }
0x70: {  	_ =	shalt  }
0x71: {  	_ =	shalt  }
0x72: {  	_ =	shalt  }
0x73: {  	_ =	shalt  }
0x74: {  	_ =	shalt  }
0x75: {  	_ =	shalt  }
0x76: {  	_ =	shalt  }
0x77: {  	_ =	shalt  }
0x78: {  	_ =	shalt  }
0x79: {  	_ =	shalt  }
0x7a: {  	_ =	shalt  }
0x7b: {  	_ =	shalt  }
0x7c: {  	_ =	shalt  }
0x7d: {  	_ =	shalt  }
0x7e: {  	_ =	shalt  }
0x7f: {  	_ =	shalt  }
0x80: {  	_ =	shalt  }
0x81: {  	_ =	shalt  }
0x82: {  	_ =	shalt  }
0x83: {  	_ =	shalt  }
0x84: {  	_ =	shalt  }
0x85: {  	_ =	shalt  }
0x86: {  	_ =	shalt  }
0x87: {  	_ =	shalt  }
.Lfunc_end0:
.L_simem_size_0:
called_computation_lowered:
.L_overlay_start_0:
0x88: {  	s2 =	sld [smem:$0x3FD9]  }
0x89: {  	s3 =	sld [smem:$0x3FFE];
	_ =	sdelay $0x1  }
0x8a: {  	s1 =	srdreg.scid  }
0x8b: {  	s0 =	sand.u32 $0x1, s1  }
0x8c: {  	s17 =	sshll.u32 s0, $0xA;
	s2 =	sadd.s32 s3, s2  }
0x8d: {  	s2 =	sadd.s32 s2, s17  }
0x8e: {  	[smem:$0x3FC4] =	sst s2  }
0x8f: {  	_ = 	snop  }
0x90: {  	s2 =	sld [smem:$0x3FD0];
	(tm) =	ssettm $0x1  }
0x91: {  	s18 =	sld [smem:$0x3FFB];
	_ =	sdelay $0x3  }
0x92: {  	_ =	strace s18  }
0x93: {  	s3 =	sld [smem:$0x3FFC];
	_ =	sdelay $0x3  }
0x94: {  	_ =	strace s3  }
0x95: {  	s3 =	sld [smem:$0x3FFD];
	_ =	sdelay $0x3  }
0x96: {  	_ =	strace s3  }
0x97: {  	_ =	strace $0x8FFFFFFF  }
0x98: {  	s19 =	sld [smem:$0x3FDB];
	_ =	sdelay $0x1  }
0x99: {  	s4 =	simm.s32 $_scs_section_size  }
0x9a: {  	s5 =	simm.s32 $_size__tile_overlayer_lowered;
	s6 =	simm.s32 $_tile_overlayer_lowered  }
0x9b: {  	s22 =	simm.s32 $0x1BFF;
	s21 =	sshll.u32 s6, $0x1;
	s3 =	sadd.s32 s4, s19  }
0x9c: {  	s7 =	simm.s32 $0x0;
	s20 =	sshll.u32 s5, $0x1;
	s5 =	sadd.s32 s21, s3  }
0x9d: {  	[timem:s7], [sflag:s22] =	dma.local [hbm:s5], s20  }
0x9e: {  	_ =	swait.ge [sflag:s22], s20  }
0x9f: {  	s4 =	ssub.s32 $0x0, s20;
	[sflag:s22] =	ssyncset.done $0x0  }
0xa0: {  	[sflag:s22] =	ssyncadd.s32 s4;
	_ =	sdelay $0x1  }
0xa1: {  	s23 =	simm.s32 $0x1B8B  }
0xa2: {  	_ =	swait.ge [sflag:s23], $0x1  }
0xa3: {  	[sflag:s23] =	ssyncset.done $0x0  }
0xa4: {  	s25 =	simm.s32 $0x1B8E;
	s24 =	sld [smem:$0x3FFE];
	[sflag:s23] =	ssyncadd.s32 $0xFFFFFFFF  }
0xa5: {  	s26 =	simm.s32 $execute0_lowered;
	[smem:$0x3FD2] =	sst s25  }
0xa6: {  	s5 =	sshll.u32 s26, $0x1;
	_ =	strace $0x80000046;
	[dreg:$0x1] =	wrdreg $0xFFFFFFFF  }
0xa7: {  	s28 =	simm.s32 $_size_execute0_lowered;
	s3 =	sadd.s32 s3, s5;
	[dreg:$0x0] =	wrdreg $0x0  }
0xa8: {  	s5 =	sshll.u32 s28, $0x1;
	[dreg:$0x2] =	wrdreg s3  }
0xa9: {  	[dreg:$0x3] =	wrdreg s5  }
0xaa: {  	[dreg:$0x4] =	wrdreg $0xC0  }
0xab: {  	_ =	task [dreg:s7], $0x5FFFF  }
0xac: {  	[dreg:$0x1] =	wrdreg $0xFFFFFFFF  }
0xad: {  	[dreg:$0x0] =	wrdreg $0x60  }
0xae: {  	[dreg:$0x2] =	wrdreg s24  }
0xaf: {  	[dreg:$0x3] =	wrdreg s2  }
0xb0: {  	[dreg:$0x4] =	wrdreg $0x9  }
0xb1: {  	_ =	task.clear_ibuf [dreg:s7], $0x5FFFF;
	_ =	strace $0x90000046  }
0xb2: {  	s29 =	simm.s32 $0x9;
	_ =	strace $0x80000048  }
0xb3: {  	_ =	swait.ge [sflag:s29], $0x1  }
0xb4: {  	[sflag:s29] =	ssyncadd.s32 $0xFFFFFFFF  }
0xb5: {  	_ =	strace $0x90000048  }
0xb6: {  	_ =	sfence  }
0xb7: {  	s30 =	sld [smem:$0x0];
	_ =	sdelay $0x2  }
0xb8: {  	s31 =	sshll.u32 s1, $0xD;
	s1 =	sshrl.u32 s1, $0x2  }
0xb9: {  	s3 =	sand.u32 $0x4000, s31;
	s1 =	sadd.s32 s1, s30  }
0xba: {  	s0 =	sor.u32 s3, s0;
	s1 =	sshll.u32 s1, $0x11  }
0xbb: {  	s0 =	sor.u32 s1, s0  }
0xbc: {  	s0 =	sadd.s32 $0x8F2B, s0  }
0xbd: {  	[sflag:s0] =	ssyncadd.remote.s32 $0x1  }
0xbe: {  	_ =	sfence.sel $0xFFFF  }
0xbf: {  	[dreg:$0x0] =	wrdreg $0xFFFFFFFF;
	(pc) =	sbr.abs _section_cstart, $3  }
0xc0: {  	[dreg:$0x1] =	wrdreg $0xFFFFFFFF  }
0xc1: {  	_ =	task.clear_ibuf [dreg:s7], $0x2FFFF;
	_ =	strace $0x9FFFFFFF  }
0xc2: {  	(tm) =	ssettm $0x7FFFFFFF  }
0xc3: {  	_ =	shalt  }
tec
execute0_lowered:
.L_overlay_start_1:
0x0: {  	(tag) =	ssettag $0x1  }
0x1: {  	s0 =	srdreg.scid;
	s2 =	stileid.u32  }
0x2: {  	s1 =	rddreg [dreg:$0x0];
	s29 =	simm.s32 $0x12800;
	s30 =	simm.s32 $0x13000  }
0x3: {  	s31 =	simm.s32 $0x13800;
	s9 =	simm.s32 $0x15000;
	s7 =	simm.s32 $0x16000  }
0x4: {  	s8 =	simm.s32 $0x16800;
	s10 =	simm.s32 $0x17000;
	s11 =	simm.s32 $0x17800  }
0x5: {  	s12 =	simm.s32 $0x18000;
	s13 =	simm.s32 $0x2;
	s14 =	simm.s32 $0x18800  }
0x6: {  	s15 =	simm.s32 $0x19000;
	s16 =	simm.s32 $0x19800;
	s17 =	simm.s32 $0x1A000  }
0x7: {  	s18 =	simm.s32 $0x1A800;
	s19 =	simm.s32 $0x1B000;
	s22 =	simm.s32 $0x0  }
0x8: {  	s0 =	sand.u32 $0x1, s0;
	s3 =	sshll.u32 s2, $0x1;
	s2 =	rddreg [dreg:$0x1]  }
0x9: {  	s4 =	sor.u32 s0, s3;
	s3 =	simm.s32 $0x0;
	s0 =	ssub.s32 $0x2, s0  }
0xa: {  	s4 =	smul.u32 $0x980, s4;
	[smem:$0x7FF] =	sst s3;
	s6 =	sshrl.u32 s0, $0x1  }
.Ltmp0:
0xb: {  	_ =	strace $0x80000047;
	s0 =	ssub.s32 s0, s6;
	(pc) =	sbr.rel .LBB2_1-.Ltmp0, $4  }
0xc: {  	s6 =	simm.s32 $0x15800;
	s5 =	sadd.s32 s4, s1;
	s0 =	smax.u32 s0, $0x1  }
0xd: {  	v2 =	vlaneseq.u32;
	s4 =	sadd.s32 $0x27600, s1;
	s26 =	sadd.s32 $0x14600, s5;
	[dreg:$0x5] =	wrdreg s0  }
0xe: {  	vm0 =	vmmov $0xffff;
	v1 =	vshrl.u32 v2, $0x3;
	s1 =	simm.s32 $0x14000;
	s28 =	sadd.s32 $0x1600, s5;
	[dreg:$0x3] =	wrdreg s26  }
0xf: {  	v0 =	vand.u32 $0x7, v2;
	v2 =	vor.u32 $0x8, v2;
	v1 =	vmul.u32 $0x8, v1;
	s0 =	simm.s32 $0x14800;
	s5 =	simm.s32 $0x1;
	[dreg:$0x4] =	wrdreg s28  }
.LBB2_11:
0x10: {  	s20 =	simm.s32 $0x3  }
0x11: {  	_ =	swait.ge [sflag:s20], $0x3000  }
0x12: {  	[sflag:s20] =	ssyncset.done $0x0  }
0x13: {  	s21 =	simm.s32 $0x4;
	[sflag:s20] =	ssyncadd.s32 $0xFFFFD000  }
0x14: {  	_ =	swait.ge [sflag:s21], $0x3000  }
0x15: {  	s22 =	rddreg [dreg:$0x6]  }
0x16: {  	s28 =	rddreg [dreg:$0x5];
	s22 =	sadd.s32 $0x1, s22  }
0x17: {  	p0 =	sne.s32 s22, s28  }
.Ltmp1:
0x18: {  	_ = 	snop;
	(pc) =	sbr.rel @!p0 .LBB2_12-.Ltmp1, $3  }
0x19: {  	_ =	sdelay $0x1  }
0x1a: {  	[sflag:s21] =	ssyncset.done $0x0  }
0x1b: {  	[sflag:s21] =	ssyncadd.s32 $0xFFFFD000  }
.LBB2_1:
0x1c: {  	[dreg:$0x6] =	wrdreg s22  }
0x1d: {  	s20 =	rddreg [dreg:$0x3];
	s21 =	simm.s32 $0x5  }
0x1e: {  	[tilespmem:s3], [sflag:$0x5] =	stream.linear.gather [hbm4b:s20+s3], $0x4B00, $0x38;
	[tilespmem:$0x1B800] =	vst v63  }
0x1f: {  	_ =	swait.ge [sflag:s21], $0x4B00  }
0x20: {  	[sflag:s21] =	ssyncset.done $0x0  }
0x21: {  	s23 =	simm.s32 $0x4C00;
	s22 =	rddreg [dreg:$0x4];
	[sflag:s21] =	ssyncadd.s32 $0xFFFFB500  }
0x22: {  	[tilespmem:s23], [sflag:$0x5] =	stream.linear.gather [hbm4b:s22+s3], $0x4B00, $0x38;
	[tilespmem:$0x1B800] =	vst v63  }
0x23: {  	_ =	swait.ge [sflag:s21], $0x4B00  }
0x24: {  	[sflag:s21] =	ssyncset.done $0x0  }
0x25: {  	[sflag:s21] =	ssyncadd.s32 $0xFFFFB500  }
0x26: {  	v3 =	vld [tilespmem:$0x0];
	_ =	sdelay $0x4  }
0x27: {  	v4 =	vshll.u32 v3, $0x1  }
0x28: {  	v3 =	vand.u32 $0x7, v3;
	v4 =	vand.u32 $0xFFFFFFF0, v4  }
0x29: {  	v3 =	vor.u32 v3, v4  }
0x2a: {  	v4 =	vperm.xlane v3, v0;
	_ =	sdelay $0x1  }
0x2b: {  	v3 =	vperm.xlane v3, v2;
	v4 =	vadd.s32 v1, v4;
	_ =	sdelay $0x1  }
0x2c: {  	v3 =	vadd.s32 v1, v3;
	_ =	sdelay $0x1  }
0x2d: {  	s24 =	simm.s32 $0x9800  }
0x2e: {  	[tilespmem:s24], [sflag:$0x1] =	stream.indirect_vreg.gather [hbm4b:s4+s3], $0x80, v4, vm0, $0xb8;
	[tilespmem:$0x1B800] =	vst v63  }
0x2f: {  	s25 =	simm.s32 $0xA000  }
0x30: {  	[tilespmem:s25], [sflag:$0x1] =	stream.indirect_vreg.gather [hbm4b:s4+s3], $0x80, v3, vm0, $0xb8;
	[tilespmem:$0x1B800] =	vst v63  }
0x31: {  	v3 =	vld [tilespmem:$0x10];
	_ =	sdelay $0x4  }
0x32: {  	v53 =	vshll.u32 v3, $0x1  }
0x33: {  	v3 =	vand.u32 $0x7, v3;
	v4 =	vand.u32 $0xFFFFFFF0, v53  }
0x34: {  	v3 =	vor.u32 v3, v4  }
0x35: {  	v4 =	vperm.xlane v3, v0;
	_ =	sdelay $0x1  }
0x36: {  	v3 =	vperm.xlane v3, v2;
	v4 =	vadd.s32 v1, v4;
	_ =	sdelay $0x1  }
0x37: {  	v3 =	vadd.s32 v1, v3;
	_ =	sdelay $0x1  }
0x38: {  	s26 =	simm.s32 $0xA800  }
0x39: {  	[tilespmem:s26], [sflag:$0x1] =	stream.indirect_vreg.gather [hbm4b:s4+s3], $0x80, v4, vm0, $0xb8;
	[tilespmem:$0x1B800] =	vst v63  }
0x3a: {  	s28 =	simm.s32 $0xB000  }
0x3b: {  	[tilespmem:s28], [sflag:$0x1] =	stream.indirect_vreg.gather [hbm4b:s4+s3], $0x80, v3, vm0, $0xb8;
	[tilespmem:$0x1B800] =	vst v63  }
0x3c: {  	v3 =	vld [tilespmem:$0x20];
	_ =	sdelay $0x4  }
0x3d: {  	v54 =	vshll.u32 v3, $0x1  }
0x3e: {  	v3 =	vand.u32 $0x7, v3;
	v4 =	vand.u32 $0xFFFFFFF0, v54  }
0x3f: {  	v3 =	vor.u32 v3, v4  }
0x40: {  	v4 =	vperm.xlane v3, v0;
	_ =	sdelay $0x1  }
0x41: {  	v3 =	vperm.xlane v3, v2;
	v4 =	vadd.s32 v1, v4;
	_ =	sdelay $0x1  }
0x42: {  	v3 =	vadd.s32 v1, v3;
	_ =	sdelay $0x1  }
0x43: {  	s21 =	simm.s32 $0xB800  }
0x44: {  	[tilespmem:s21], [sflag:$0x1] =	stream.indirect_vreg.gather [hbm4b:s4+s3], $0x80, v4, vm0, $0xb8;
	[tilespmem:$0x1B800] =	vst v63  }
0x45: {  	s22 =	simm.s32 $0xC000  }
0x46: {  	[tilespmem:s22], [sflag:$0x1] =	stream.indirect_vreg.gather [hbm4b:s4+s3], $0x80, v3, vm0, $0xb8;
	[tilespmem:$0x1B800] =	vst v63  }
0x47: {  	v3 =	vld [tilespmem:$0x30];
	_ =	sdelay $0x4  }
0x48: {  	v55 =	vshll.u32 v3, $0x1  }
0x49: {  	v3 =	vand.u32 $0x7, v3;
	v4 =	vand.u32 $0xFFFFFFF0, v55  }
0x4a: {  	v3 =	vor.u32 v3, v4  }
0x4b: {  	v4 =	vperm.xlane v3, v0;
	_ =	sdelay $0x1  }
0x4c: {  	v3 =	vperm.xlane v3, v2;
	v4 =	vadd.s32 v1, v4;
	_ =	sdelay $0x1  }
0x4d: {  	v3 =	vadd.s32 v1, v3;
	_ =	sdelay $0x1  }
0x4e: {  	s23 =	simm.s32 $0xC800  }
0x4f: {  	[tilespmem:s23], [sflag:$0x1] =	stream.indirect_vreg.gather [hbm4b:s4+s3], $0x80, v4, vm0, $0xb8;
	[tilespmem:$0x1B800] =	vst v63  }
0x50: {  	s24 =	simm.s32 $0xD000  }
0x51: {  	[tilespmem:s24], [sflag:$0x1] =	stream.indirect_vreg.gather [hbm4b:s4+s3], $0x80, v3, vm0, $0xb8;
	[tilespmem:$0x1B800] =	vst v63  }
0x52: {  	v3 =	vld [tilespmem:$0x40];
	_ =	sdelay $0x4  }
0x53: {  	v56 =	vshll.u32 v3, $0x1  }
0x54: {  	v3 =	vand.u32 $0x7, v3;
	v4 =	vand.u32 $0xFFFFFFF0, v56  }
0x55: {  	v3 =	vor.u32 v3, v4  }
0x56: {  	v4 =	vperm.xlane v3, v0;
	_ =	sdelay $0x1  }
0x57: {  	v3 =	vperm.xlane v3, v2;
	v4 =	vadd.s32 v1, v4;
	_ =	sdelay $0x1  }
0x58: {  	v3 =	vadd.s32 v1, v3;
	_ =	sdelay $0x1  }
0x59: {  	s25 =	simm.s32 $0xD800  }
0x5a: {  	[tilespmem:s25], [sflag:$0x1] =	stream.indirect_vreg.gather [hbm4b:s4+s3], $0x80, v4, vm0, $0xb8;
	[tilespmem:$0x1B800] =	vst v63  }
0x5b: {  	s26 =	simm.s32 $0xE000  }
0x5c: {  	[tilespmem:s26], [sflag:$0x1] =	stream.indirect_vreg.gather [hbm4b:s4+s3], $0x80, v3, vm0, $0xb8;
	[tilespmem:$0x1B800] =	vst v63  }
0x5d: {  	v3 =	vld [tilespmem:$0x50];
	_ =	sdelay $0x4  }
0x5e: {  	v57 =	vshll.u32 v3, $0x1  }
0x5f: {  	v3 =	vand.u32 $0x7, v3;
	v4 =	vand.u32 $0xFFFFFFF0, v57  }
0x60: {  	v3 =	vor.u32 v3, v4  }
0x61: {  	v4 =	vperm.xlane v3, v0;
	_ =	sdelay $0x1  }
0x62: {  	v3 =	vperm.xlane v3, v2;
	v4 =	vadd.s32 v1, v4;
	_ =	sdelay $0x1  }
0x63: {  	v3 =	vadd.s32 v1, v3;
	_ =	sdelay $0x1  }
0x64: {  	s28 =	simm.s32 $0xE800  }
0x65: {  	[tilespmem:s28], [sflag:$0x1] =	stream.indirect_vreg.gather [hbm4b:s4+s3], $0x80, v4, vm0, $0xb8;
	[tilespmem:$0x1B800] =	vst v63  }
0x66: {  	s21 =	simm.s32 $0xF000  }
0x67: {  	[tilespmem:s21], [sflag:$0x1] =	stream.indirect_vreg.gather [hbm4b:s4+s3], $0x80, v3, vm0, $0xb8;
	[tilespmem:$0x1B800] =	vst v63  }
0x68: {  	v3 =	vld [tilespmem:$0x80];
	_ =	sdelay $0x4  }
0x69: {  	v58 =	vshll.u32 v3, $0x1  }
0x6a: {  	v3 =	vand.u32 $0x7, v3;
	v4 =	vand.u32 $0xFFFFFFF0, v58  }
0x6b: {  	v3 =	vor.u32 v3, v4  }
0x6c: {  	v4 =	vperm.xlane v3, v0;
	_ =	sdelay $0x1  }
0x6d: {  	v3 =	vperm.xlane v3, v2;
	v4 =	vadd.s32 v1, v4;
	_ =	sdelay $0x1  }
0x6e: {  	v3 =	vadd.s32 v1, v3;
	_ =	sdelay $0x1  }
0x6f: {  	s22 =	simm.s32 $0xF800  }
0x70: {  	[tilespmem:s22], [sflag:$0x2] =	stream.indirect_vreg.gather [hbm4b:s4+s3], $0x80, v4, vm0, $0xb8;
	[tilespmem:$0x1B800] =	vst v63  }
0x71: {  	s23 =	simm.s32 $0x10000  }
0x72: {  	[tilespmem:s23], [sflag:$0x2] =	stream.indirect_vreg.gather [hbm4b:s4+s3], $0x80, v3, vm0, $0xb8;
	[tilespmem:$0x1B800] =	vst v63  }
0x73: {  	v3 =	vld [tilespmem:$0x90];
	_ =	sdelay $0x4  }
0x74: {  	v59 =	vshll.u32 v3, $0x1  }
0x75: {  	v3 =	vand.u32 $0x7, v3;
	v4 =	vand.u32 $0xFFFFFFF0, v59  }
0x76: {  	v3 =	vor.u32 v3, v4  }
0x77: {  	v4 =	vperm.xlane v3, v0;
	_ =	sdelay $0x1  }
0x78: {  	v3 =	vperm.xlane v3, v2;
	v4 =	vadd.s32 v1, v4;
	_ =	sdelay $0x1  }
0x79: {  	v3 =	vadd.s32 v1, v3;
	_ =	sdelay $0x1  }
0x7a: {  	s24 =	simm.s32 $0x10800  }
0x7b: {  	[tilespmem:s24], [sflag:$0x2] =	stream.indirect_vreg.gather [hbm4b:s4+s3], $0x80, v4, vm0, $0xb8;
	[tilespmem:$0x1B800] =	vst v63  }
0x7c: {  	s25 =	simm.s32 $0x11000  }
0x7d: {  	[tilespmem:s25], [sflag:$0x2] =	stream.indirect_vreg.gather [hbm4b:s4+s3], $0x80, v3, vm0, $0xb8;
	[tilespmem:$0x1B800] =	vst v63  }
0x7e: {  	v3 =	vld [tilespmem:$0xA0];
	_ =	sdelay $0x4  }
0x7f: {  	v60 =	vshll.u32 v3, $0x1  }
0x80: {  	v3 =	vand.u32 $0x7, v3;
	v4 =	vand.u32 $0xFFFFFFF0, v60  }
0x81: {  	v3 =	vor.u32 v3, v4  }
0x82: {  	v4 =	vperm.xlane v3, v0;
	_ =	sdelay $0x1  }
0x83: {  	v3 =	vperm.xlane v3, v2;
	v4 =	vadd.s32 v1, v4;
	_ =	sdelay $0x1  }
0x84: {  	v3 =	vadd.s32 v1, v3;
	_ =	sdelay $0x1  }
0x85: {  	s26 =	simm.s32 $0x11800  }
0x86: {  	[tilespmem:s26], [sflag:$0x2] =	stream.indirect_vreg.gather [hbm4b:s4+s3], $0x80, v4, vm0, $0xb8;
	[tilespmem:$0x1B800] =	vst v63  }
0x87: {  	s28 =	simm.s32 $0x12000  }
0x88: {  	[tilespmem:s28], [sflag:$0x2] =	stream.indirect_vreg.gather [hbm4b:s4+s3], $0x80, v3, vm0, $0xb8;
	[tilespmem:$0x1B800] =	vst v63  }
0x89: {  	v3 =	vld [tilespmem:$0xB0];
	_ =	sdelay $0x4  }
0x8a: {  	v61 =	vshll.u32 v3, $0x1  }
0x8b: {  	v3 =	vand.u32 $0x7, v3;
	v4 =	vand.u32 $0xFFFFFFF0, v61  }
0x8c: {  	v3 =	vor.u32 v3, v4  }
0x8d: {  	v4 =	vperm.xlane v3, v0;
	_ =	sdelay $0x1  }
0x8e: {  	v3 =	vperm.xlane v3, v2;
	v4 =	vadd.s32 v1, v4;
	_ =	sdelay $0x1  }
0x8f: {  	v3 =	vadd.s32 v1, v3;
	_ =	sdelay $0x2  }
0x90: {  	[tilespmem:s29], [sflag:$0x2] =	stream.indirect_vreg.gather [hbm4b:s4+s3], $0x80, v4, vm0, $0xb8;
	[tilespmem:$0x1B800] =	vst v63  }
0x91: {  	_ = 	snop  }
0x92: {  	[tilespmem:s30], [sflag:$0x2] =	stream.indirect_vreg.gather [hbm4b:s4+s3], $0x80, v3, vm0, $0xb8;
	[tilespmem:$0x1B800] =	vst v63  }
0x93: {  	v3 =	vld [tilespmem:$0xC0];
	_ =	sdelay $0x4  }
0x94: {  	v62 =	vshll.u32 v3, $0x1  }
0x95: {  	v3 =	vand.u32 $0x7, v3;
	v4 =	vand.u32 $0xFFFFFFF0, v62  }
0x96: {  	v3 =	vor.u32 v3, v4  }
0x97: {  	v4 =	vperm.xlane v3, v0;
	_ =	sdelay $0x1  }
0x98: {  	v3 =	vperm.xlane v3, v2;
	v4 =	vadd.s32 v1, v4;
	_ =	sdelay $0x1  }
0x99: {  	v3 =	vadd.s32 v1, v3;
	_ =	sdelay $0x2  }
0x9a: {  	[tilespmem:s31], [sflag:$0x2] =	stream.indirect_vreg.gather [hbm4b:s4+s3], $0x80, v4, vm0, $0xb8;
	[tilespmem:$0x1B800] =	vst v63  }
0x9b: {  	_ = 	snop  }
0x9c: {  	[tilespmem:s1], [sflag:$0x2] =	stream.indirect_vreg.gather [hbm4b:s4+s3], $0x80, v3, vm0, $0xb8;
	[tilespmem:$0x1B800] =	vst v63  }
0x9d: {  	v3 =	vld [tilespmem:$0xD0];
	_ =	sdelay $0x4  }
0x9e: {  	v63 =	vshll.u32 v3, $0x1  }
0x9f: {  	v3 =	vand.u32 $0x7, v3;
	v4 =	vand.u32 $0xFFFFFFF0, v63  }
0xa0: {  	v3 =	vor.u32 v3, v4  }
0xa1: {  	v4 =	vperm.xlane v3, v0;
	_ =	sdelay $0x1  }
0xa2: {  	v3 =	vperm.xlane v3, v2;
	v4 =	vadd.s32 v1, v4;
	_ =	sdelay $0x1  }
0xa3: {  	v3 =	vadd.s32 v1, v3  }
.Ltmp2:
0xa4: {  	_ = 	snop;
	(pc) =	sbr.rel .LBB2_2-.Ltmp2, $4  }
0xa5: {  	_ = 	snop  }
0xa6: {  	[tilespmem:s0], [sflag:$0x2] =	stream.indirect_vreg.gather [hbm4b:s4+s3], $0x80, v4, vm0, $0xb8;
	[tilespmem:$0x1B800] =	vst v63  }
0xa7: {  	s20 =	simm.s32 $0x0  }
0xa8: {  	[tilespmem:s9], [sflag:$0x2] =	stream.indirect_vreg.gather [hbm4b:s4+s3], $0x80, v3, vm0, $0xb8;
	[tilespmem:$0x1B800] =	vst v63  }
.LBB2_10:
0xa9: {  	v3 =	vld [tilespmem:s21+$0x4C80];
	_ =	sdelay $0x4  }
0xaa: {  	v4 =	vshll.u32 v3, $0x1  }
0xab: {  	v3 =	vand.u32 $0x7, v3;
	v4 =	vand.u32 $0xFFFFFFF0, v4  }
0xac: {  	v3 =	vor.u32 v3, v4  }
0xad: {  	v4 =	vperm.xlane v3, v0;
	_ =	sdelay $0x1  }
0xae: {  	v3 =	vperm.xlane v3, v2;
	v4 =	vadd.s32 v1, v4;
	_ =	sdelay $0x1  }
0xaf: {  	v3 =	vadd.s32 v1, v3;
	_ =	sdelay $0x2  }
0xb0: {  	[hbm4b:s2+s3] =	stream.indirect_vreg.scatter [tilespmem:s14], [sflag:$0x4], $0x80, v4, vm0, $0xb8;
	[tilespmem:$0x1B800] =	vst v63  }
0xb1: {  	_ = 	snop  }
0xb2: {  	[hbm4b:s2+s3] =	stream.indirect_vreg.scatter [tilespmem:s15], [sflag:$0x4], $0x80, v3, vm0, $0xb8;
	[tilespmem:$0x1B800] =	vst v63  }
0xb3: {  	v3 =	vld [tilespmem:s21+$0x4C90];
	_ =	sdelay $0x4  }
0xb4: {  	v62 =	vshll.u32 v3, $0x1  }
0xb5: {  	v3 =	vand.u32 $0x7, v3;
	v4 =	vand.u32 $0xFFFFFFF0, v62  }
0xb6: {  	v3 =	vor.u32 v3, v4  }
0xb7: {  	v4 =	vperm.xlane v3, v0;
	_ =	sdelay $0x1  }
0xb8: {  	v3 =	vperm.xlane v3, v2;
	v4 =	vadd.s32 v1, v4;
	_ =	sdelay $0x1  }
0xb9: {  	v3 =	vadd.s32 v1, v3;
	_ =	sdelay $0x2  }
0xba: {  	[hbm4b:s2+s3] =	stream.indirect_vreg.scatter [tilespmem:s16], [sflag:$0x4], $0x80, v4, vm0, $0xb8;
	[tilespmem:$0x1B800] =	vst v63  }
0xbb: {  	_ = 	snop  }
0xbc: {  	[hbm4b:s2+s3] =	stream.indirect_vreg.scatter [tilespmem:s17], [sflag:$0x4], $0x80, v3, vm0, $0xb8;
	[tilespmem:$0x1B800] =	vst v63  }
0xbd: {  	v3 =	vld [tilespmem:s21+$0x4CA0];
	_ =	sdelay $0x4  }
0xbe: {  	v63 =	vshll.u32 v3, $0x1  }
0xbf: {  	v3 =	vand.u32 $0x7, v3;
	v4 =	vand.u32 $0xFFFFFFF0, v63  }
0xc0: {  	v3 =	vor.u32 v3, v4  }
0xc1: {  	v4 =	vperm.xlane v3, v0;
	_ =	sdelay $0x1  }
0xc2: {  	v3 =	vperm.xlane v3, v2;
	v4 =	vadd.s32 v1, v4  }
0xc3: {  	s20 =	sadd.s32 $0x1, s20  }
0xc4: {  	p0 =	sne.s32 s20, $0x4B;
	v3 =	vadd.s32 v1, v3  }
.Ltmp3:
0xc5: {  	_ = 	snop;
	(pc) =	sbr.rel @!p0 .LBB2_11-.Ltmp3, $4  }
0xc6: {  	_ = 	snop  }
0xc7: {  	[hbm4b:s2+s3] =	stream.indirect_vreg.scatter [tilespmem:s18], [sflag:$0x4], $0x80, v4, vm0, $0xb8;
	[tilespmem:$0x1B800] =	vst v63  }
0xc8: {  	_ = 	snop  }
0xc9: {  	[hbm4b:s2+s3] =	stream.indirect_vreg.scatter [tilespmem:s19], [sflag:$0x4], $0x80, v3, vm0, $0xb8;
	[tilespmem:$0x1B800] =	vst v63  }
.LBB2_2:
0xca: {  	_ =	swait.ge [sflag:s5], $0x6000  }
0xcb: {  	p1 =	seq.s32 s20, $0x0;
	[sflag:s5] =	ssyncset.done $0x0  }
0xcc: {  	s21 =	simm.s32 @!p1 $0x3;
	[sflag:s5] =	ssyncadd.s32 $0xFFFFA000  }
0xcd: {  	s22 =	simm.s32 $0x0;
	_ =	swait.ge @!p1 [sflag:s21], $0x3000  }
0xce: {  	s23 =	sand.u32 $0x3800, s22;
	s22 =	sand.u32 $0x380, s22;
	[sflag:s21] =	ssyncset.done @!p1 $0x0  }
0xcf: {  	s22 =	sor.u32 s22, s23;
	[sflag:s21] =	ssyncadd.s32 @!p1 $0xFFFFD000  }
0xd0: {  	v3 =	vld [tilespmem:s22+$0x9C70]  }
0xd1: {  	v4 =	vld [tilespmem:s22+$0xCC70]  }
0xd2: {  	v5 =	vld [tilespmem:s22+$0x9800]  }
0xd3: {  	v6 =	vld [tilespmem:s22+$0xC800]  }
0xd4: {  	v7 =	vld [tilespmem:s22+$0x9810]  }
0xd5: {  	v8 =	vld [tilespmem:s22+$0xC810]  }
0xd6: {  	v9 =	vld [tilespmem:s22+$0x9820]  }
0xd7: {  	v10 =	vld [tilespmem:s22+$0x9830];
	v3 =	vadd.f32 v4, v3  }
0xd8: {  	v4 =	vld [tilespmem:s22+$0xC820]  }
0xd9: {  	v5 =	vadd.f32 v6, v5;
	[tilespmem:s22+$0x15C70] =	vst v3;
	v3 =	vld [tilespmem:s22+$0xC830]  }
0xda: {  	v6 =	vld [tilespmem:s22+$0x9840]  }
0xdb: {  	[tilespmem:s22+$0x15800] =	vst v5;
	v5 =	vadd.f32 v8, v7;
	v7 =	vld [tilespmem:s22+$0xC840]  }
0xdc: {  	v8 =	vld [tilespmem:s22+$0xC850]  }
0xdd: {  	[tilespmem:s22+$0x15810] =	vst v5;
	v5 =	vld [tilespmem:s22+$0x9850];
	v4 =	vadd.f32 v4, v9  }
0xde: {  	v9 =	vld [tilespmem:s22+$0xC860];
	v3 =	vadd.f32 v3, v10  }
0xdf: {  	[tilespmem:s22+$0x15820] =	vst v4;
	v4 =	vld [tilespmem:s22+$0x9860]  }
0xe0: {  	[tilespmem:s22+$0x15830] =	vst v3;
	v3 =	vadd.f32 v7, v6;
	v6 =	vld [tilespmem:s22+$0x9870]  }
0xe1: {  	v7 =	vld [tilespmem:s22+$0xC870]  }
0xe2: {  	[tilespmem:s22+$0x15840] =	vst v3;
	v3 =	vadd.f32 v8, v5;
	v5 =	vld [tilespmem:s22+$0x9C00]  }
0xe3: {  	v8 =	vld [tilespmem:s22+$0xCC00]  }
0xe4: {  	[tilespmem:s22+$0x15850] =	vst v3;
	v3 =	vadd.f32 v9, v4;
	v4 =	vld [tilespmem:s22+$0x9C10]  }
0xe5: {  	v9 =	vld [tilespmem:s22+$0xCC10]  }
0xe6: {  	[tilespmem:s22+$0x15860] =	vst v3;
	v3 =	vadd.f32 v7, v6;
	v6 =	vld [tilespmem:s22+$0x9C20]  }
0xe7: {  	v7 =	vld [tilespmem:s22+$0xCC20]  }
0xe8: {  	v10 =	vld [tilespmem:s22+$0xCC30]  }
0xe9: {  	[tilespmem:s22+$0x15870] =	vst v3;
	v3 =	vadd.f32 v8, v5;
	v8 =	vld [tilespmem:s22+$0x9C30]  }
0xea: {  	v5 =	vld [tilespmem:s22+$0xCC40];
	v4 =	vadd.f32 v9, v4  }
0xeb: {  	[tilespmem:s22+$0x15C00] =	vst v3;
	v3 =	vld [tilespmem:s22+$0x9C40]  }
0xec: {  	[tilespmem:s22+$0x15C10] =	vst v4;
	v7 =	vadd.f32 v7, v6;
	v4 =	vld [tilespmem:s22+$0x9C50]  }
0xed: {  	s28 =	simm.s32 $0x100;
	s23 =	simm.s32 $0x80;
	v6 =	vld [tilespmem:s22+$0xCC50]  }
0xee: {  	s24 =	sand.u32 $0x3800, s28;
	s25 =	sand.u32 $0x380, s23;
	[tilespmem:s22+$0x15C20] =	vst v7;
	v7 =	vld [tilespmem:s22+$0x9C60];
	v9 =	vadd.f32 v10, v8  }
0xef: {  	s25 =	sor.u32 s25, s24;
	s24 =	simm.s32 $0x200;
	s21 =	sshll.u32 s20, $0xA;
	v8 =	vld [tilespmem:s22+$0xCC60]  }
.LBB2_3:
0xf0: {  	p0 =	sne.s32 s24, $0x2F00;
	v10 =	vld [tilespmem:s25+$0x9C70];
	[tilespmem:s22+$0x15C30] =	vst v9;
	v3 =	vadd.f32 v5, v3  }
0xf1: {  	v5 =	vld [tilespmem:s25+$0xCC70]  }
0xf2: {  	v9 =	vld [tilespmem:s25+$0x9800];
	[tilespmem:s22+$0x15C40] =	vst v3;
	v3 =	vadd.f32 v6, v4  }
0xf3: {  	v4 =	vld [tilespmem:s25+$0xC800]  }
0xf4: {  	v6 =	vld [tilespmem:s25+$0x9810];
	[tilespmem:s22+$0x15C50] =	vst v3;
	v3 =	vadd.f32 v8, v7  }
0xf5: {  	v7 =	vld [tilespmem:s25+$0xC810]  }
0xf6: {  	v8 =	vld [tilespmem:s25+$0x9820];
	v5 =	vadd.f32 v5, v10;
	[tilespmem:s22+$0x15C60] =	vst v3;
	s22 =	smov.u32 s25  }
0xf7: {  	v3 =	vld [tilespmem:s22+$0xC820]  }
0xf8: {  	v4 =	vadd.f32 v4, v9;
	v9 =	vld [tilespmem:s22+$0x9830];
	[tilespmem:s22+$0x15C70] =	vst v5  }
0xf9: {  	v5 =	vld [tilespmem:s22+$0xC830]  }
0xfa: {  	[tilespmem:s22+$0x15800] =	vst v4;
	v4 =	vadd.f32 v7, v6;
	v6 =	vld [tilespmem:s22+$0x9840]  }
0xfb: {  	v7 =	vld [tilespmem:s22+$0xC840]  }
0xfc: {  	[tilespmem:s22+$0x15810] =	vst v4;
	v3 =	vadd.f32 v3, v8;
	v4 =	vld [tilespmem:s22+$0x9850]  }
0xfd: {  	v8 =	vld [tilespmem:s22+$0xC850]  }
0xfe: {  	[tilespmem:s22+$0x15820] =	vst v3;
	v3 =	vadd.f32 v5, v9;
	v5 =	vld [tilespmem:s22+$0x9860]  }
0xff: {  	v9 =	vld [tilespmem:s22+$0xC860]  }
0x100: {  	[tilespmem:s22+$0x15830] =	vst v3;
	v3 =	vadd.f32 v7, v6;
	v6 =	vld [tilespmem:s22+$0x9870]  }
0x101: {  	v7 =	vld [tilespmem:s22+$0xC870]  }
0x102: {  	[tilespmem:s22+$0x15840] =	vst v3;
	v3 =	vadd.f32 v8, v4;
	v4 =	vld [tilespmem:s22+$0x9C00]  }
0x103: {  	v8 =	vld [tilespmem:s22+$0xCC00]  }
0x104: {  	[tilespmem:s22+$0x15850] =	vst v3;
	v3 =	vadd.f32 v9, v5;
	v5 =	vld [tilespmem:s22+$0x9C10]  }
0x105: {  	v9 =	vld [tilespmem:s22+$0xCC10]  }
0x106: {  	[tilespmem:s22+$0x15860] =	vst v3;
	v3 =	vadd.f32 v7, v6;
	v6 =	vld [tilespmem:s22+$0x9C20]  }
0x107: {  	v7 =	vld [tilespmem:s22+$0xCC20]  }
0x108: {  	[tilespmem:s22+$0x15870] =	vst v3;
	v3 =	vadd.f32 v8, v4;
	v8 =	vld [tilespmem:s22+$0x9C30]  }
0x109: {  	v10 =	vld [tilespmem:s22+$0xCC30]  }
0x10a: {  	[tilespmem:s22+$0x15C00] =	vst v3;
	v4 =	vadd.f32 v9, v5;
	v3 =	vld [tilespmem:s22+$0x9C40]  }
.Ltmp4:
0x10b: {  	v5 =	vld [tilespmem:s22+$0xCC40];
	(pc) =	sbr.rel @p0 .LBB2_3-.Ltmp4, $4  }
0x10c: {  	[tilespmem:s22+$0x15C10] =	vst v4;
	v7 =	vadd.f32 v7, v6;
	v4 =	vld [tilespmem:s22+$0x9C50]  }
0x10d: {  	s23 =	sadd.s32 $0x80, s23;
	v6 =	vld [tilespmem:s22+$0xCC50]  }
0x10e: {  	s26 =	sand.u32 $0x380, s23;
	s25 =	sand.u32 $0x3800, s24;
	[tilespmem:s22+$0x15C20] =	vst v7;
	v9 =	vadd.f32 v10, v8;
	v7 =	vld [tilespmem:s22+$0x9C60]  }
0x10f: {  	s24 =	sadd.s32 $0x100, s24;
	s25 =	sor.u32 s26, s25;
	v8 =	vld [tilespmem:s22+$0xCC60]  }
0x110: {  	v10 =	vld [tilespmem:s25+$0x9C70];
	[tilespmem:s22+$0x15C30] =	vst v9;
	v3 =	vadd.f32 v5, v3  }
0x111: {  	v33 =	vld [tilespmem:s25+$0xCC70]  }
0x112: {  	v9 =	vld [tilespmem:s25+$0x9800];
	[tilespmem:s22+$0x15C40] =	vst v3;
	v3 =	vadd.f32 v6, v4  }
0x113: {  	v34 =	vld [tilespmem:s25+$0xC800]  }
0x114: {  	v35 =	vld [tilespmem:s25+$0x9810];
	[tilespmem:s22+$0x15C50] =	vst v3;
	v3 =	vadd.f32 v8, v7  }
0x115: {  	v36 =	vld [tilespmem:s25+$0xC810]  }
0x116: {  	v37 =	vld [tilespmem:s25+$0x9820];
	[tilespmem:s22+$0x15C60] =	vst v3  }
0x117: {  	v38 =	vld [tilespmem:s25+$0xC820]  }
0x118: {  	v3 =	vadd.f32 v33, v10;
	v39 =	vld [tilespmem:s25+$0x9830]  }
0x119: {  	v41 =	vld [tilespmem:s25+$0x9840]  }
0x11a: {  	[tilespmem:s25+$0x15C70] =	vst v3;
	v3 =	vld [tilespmem:s25+$0xC830]  }
0x11b: {  	v42 =	vld [tilespmem:s25+$0xC840]  }
0x11c: {  	v44 =	vld [tilespmem:s25+$0x9850]  }
0x11d: {  	v45 =	vld [tilespmem:s25+$0xC850]  }
0x11e: {  	v46 =	vld [tilespmem:s25+$0x9860]  }
0x11f: {  	v47 =	vld [tilespmem:s25+$0xC860];
	v3 =	vadd.f32 v3, v39  }
0x120: {  	v48 =	vld [tilespmem:s25+$0x9870]  }
0x121: {  	v49 =	vld [tilespmem:s25+$0xC870];
	[tilespmem:s25+$0x15830] =	vst v3;
	v3 =	vadd.f32 v42, v41  }
0x122: {  	v50 =	vld [tilespmem:s25+$0x9C00]  }
0x123: {  	v51 =	vld [tilespmem:s25+$0xCC00];
	[tilespmem:s25+$0x15840] =	vst v3;
	v3 =	vadd.f32 v45, v44  }
0x124: {  	v52 =	vld [tilespmem:s25+$0x9C10]  }
0x125: {  	v53 =	vld [tilespmem:s25+$0xCC10];
	[tilespmem:s25+$0x15850] =	vst v3;
	v3 =	vadd.f32 v47, v46  }
0x126: {  	v54 =	vld [tilespmem:s25+$0x9C20]  }
0x127: {  	v55 =	vld [tilespmem:s25+$0xCC20];
	[tilespmem:s25+$0x15860] =	vst v3;
	v3 =	vadd.f32 v49, v48  }
0x128: {  	v56 =	vld [tilespmem:s25+$0x9C30]  }
0x129: {  	v57 =	vld [tilespmem:s25+$0xCC30];
	[tilespmem:s25+$0x15870] =	vst v3;
	v3 =	vadd.f32 v51, v50  }
0x12a: {  	v58 =	vld [tilespmem:s25+$0x9C40]  }
0x12b: {  	v59 =	vld [tilespmem:s25+$0xCC40];
	[tilespmem:s25+$0x15C00] =	vst v3;
	v3 =	vadd.f32 v53, v52  }
0x12c: {  	v60 =	vld [tilespmem:s25+$0x9C50]  }
0x12d: {  	v61 =	vld [tilespmem:s25+$0xCC50];
	[tilespmem:s25+$0x15C10] =	vst v3;
	v3 =	vadd.f32 v55, v54  }
0x12e: {  	v62 =	vld [tilespmem:s25+$0xCC60];
	v4 =	vadd.f32 v34, v9  }
0x12f: {  	v40 =	vadd.f32 v36, v35;
	[tilespmem:s25+$0x15C20] =	vst v3;
	v3 =	vld [tilespmem:s25+$0x9C60]  }
0x130: {  	[tilespmem:s25+$0x15800] =	vst v4;
	v43 =	vadd.f32 v38, v37  }
0x131: {  	p0 =	seq.s32 s20, $0x4A;
	[tilespmem:s25+$0x15810] =	vst v40;
	v5 =	vadd.f32 v57, v56  }
.Ltmp5:
0x132: {  	v4 =	vadd.f32 v59, v58;
	[tilespmem:s25+$0x15820] =	vst v43;
	(pc) =	sbr.rel @p0 .LBB2_6-.Ltmp5, $4  }
0x133: {  	v63 =	vadd.f32 v61, v60;
	[tilespmem:s25+$0x15C30] =	vst v5  }
0x134: {  	[tilespmem:s25+$0x15C40] =	vst v4;
	v3 =	vadd.f32 v62, v3  }
0x135: {  	[tilespmem:s25+$0x15C50] =	vst v63  }
0x136: {  	[tilespmem:s25+$0x15C60] =	vst v3  }
0x137: {  	s22 =	sshrl.u32 s21, $0x2  }
0x138: {  	v3 =	vld [tilespmem:s22+$0x100];
	_ =	sdelay $0x4  }
0x139: {  	v4 =	vshll.u32 v3, $0x1  }
0x13a: {  	v3 =	vand.u32 $0x7, v3;
	v4 =	vand.u32 $0xFFFFFFF0, v4  }
0x13b: {  	v3 =	vor.u32 v3, v4  }
0x13c: {  	v4 =	vperm.xlane v3, v0;
	_ =	sdelay $0x1  }
0x13d: {  	v3 =	vperm.xlane v3, v2;
	v4 =	vadd.s32 v1, v4;
	_ =	sdelay $0x1  }
0x13e: {  	v3 =	vadd.s32 v1, v3;
	_ =	sdelay $0x1  }
0x13f: {  	s23 =	simm.s32 $0x9800  }
0x140: {  	[tilespmem:s23], [sflag:$0x1] =	stream.indirect_vreg.gather [hbm4b:s4+s3], $0x80, v4, vm0, $0xb8;
	[tilespmem:$0x1B800] =	vst v63  }
0x141: {  	s25 =	simm.s32 $0xA000  }
0x142: {  	[tilespmem:s25], [sflag:$0x1] =	stream.indirect_vreg.gather [hbm4b:s4+s3], $0x80, v3, vm0, $0xb8;
	[tilespmem:$0x1B800] =	vst v63  }
0x143: {  	v3 =	vld [tilespmem:s22+$0x110];
	_ =	sdelay $0x4  }
0x144: {  	v59 =	vshll.u32 v3, $0x1  }
0x145: {  	v3 =	vand.u32 $0x7, v3;
	v4 =	vand.u32 $0xFFFFFFF0, v59  }
0x146: {  	v3 =	vor.u32 v3, v4  }
0x147: {  	v4 =	vperm.xlane v3, v0;
	_ =	sdelay $0x1  }
0x148: {  	v3 =	vperm.xlane v3, v2;
	v4 =	vadd.s32 v1, v4;
	_ =	sdelay $0x1  }
0x149: {  	v3 =	vadd.s32 v1, v3;
	_ =	sdelay $0x1  }
0x14a: {  	s26 =	simm.s32 $0xA800  }
0x14b: {  	[tilespmem:s26], [sflag:$0x1] =	stream.indirect_vreg.gather [hbm4b:s4+s3], $0x80, v4, vm0, $0xb8;
	[tilespmem:$0x1B800] =	vst v63  }
0x14c: {  	s28 =	simm.s32 $0xB000  }
0x14d: {  	[tilespmem:s28], [sflag:$0x1] =	stream.indirect_vreg.gather [hbm4b:s4+s3], $0x80, v3, vm0, $0xb8;
	[tilespmem:$0x1B800] =	vst v63  }
0x14e: {  	v3 =	vld [tilespmem:s22+$0x120];
	_ =	sdelay $0x4  }
0x14f: {  	v60 =	vshll.u32 v3, $0x1  }
0x150: {  	v3 =	vand.u32 $0x7, v3;
	v4 =	vand.u32 $0xFFFFFFF0, v60  }
0x151: {  	v3 =	vor.u32 v3, v4  }
0x152: {  	v4 =	vperm.xlane v3, v0;
	_ =	sdelay $0x1  }
0x153: {  	v3 =	vperm.xlane v3, v2;
	v4 =	vadd.s32 v1, v4;
	_ =	sdelay $0x1  }
0x154: {  	v3 =	vadd.s32 v1, v3;
	_ =	sdelay $0x1  }
0x155: {  	s24 =	simm.s32 $0xB800  }
0x156: {  	[tilespmem:s24], [sflag:$0x1] =	stream.indirect_vreg.gather [hbm4b:s4+s3], $0x80, v4, vm0, $0xb8;
	[tilespmem:$0x1B800] =	vst v63  }
0x157: {  	s25 =	simm.s32 $0xC000  }
0x158: {  	[tilespmem:s25], [sflag:$0x1] =	stream.indirect_vreg.gather [hbm4b:s4+s3], $0x80, v3, vm0, $0xb8;
	[tilespmem:$0x1B800] =	vst v63  }
0x159: {  	v3 =	vld [tilespmem:s22+$0x130];
	_ =	sdelay $0x4  }
0x15a: {  	v61 =	vshll.u32 v3, $0x1  }
0x15b: {  	v3 =	vand.u32 $0x7, v3;
	v4 =	vand.u32 $0xFFFFFFF0, v61  }
0x15c: {  	v3 =	vor.u32 v3, v4  }
0x15d: {  	v4 =	vperm.xlane v3, v0;
	_ =	sdelay $0x1  }
0x15e: {  	v3 =	vperm.xlane v3, v2;
	v4 =	vadd.s32 v1, v4;
	_ =	sdelay $0x1  }
0x15f: {  	v3 =	vadd.s32 v1, v3;
	_ =	sdelay $0x1  }
0x160: {  	s26 =	simm.s32 $0xC800  }
0x161: {  	[tilespmem:s26], [sflag:$0x1] =	stream.indirect_vreg.gather [hbm4b:s4+s3], $0x80, v4, vm0, $0xb8;
	[tilespmem:$0x1B800] =	vst v63  }
0x162: {  	s28 =	simm.s32 $0xD000  }
0x163: {  	[tilespmem:s28], [sflag:$0x1] =	stream.indirect_vreg.gather [hbm4b:s4+s3], $0x80, v3, vm0, $0xb8;
	[tilespmem:$0x1B800] =	vst v63  }
0x164: {  	v3 =	vld [tilespmem:s22+$0x140];
	_ =	sdelay $0x4  }
0x165: {  	v62 =	vshll.u32 v3, $0x1  }
0x166: {  	v3 =	vand.u32 $0x7, v3;
	v4 =	vand.u32 $0xFFFFFFF0, v62  }
0x167: {  	v3 =	vor.u32 v3, v4  }
0x168: {  	v4 =	vperm.xlane v3, v0;
	_ =	sdelay $0x1  }
0x169: {  	v3 =	vperm.xlane v3, v2;
	v4 =	vadd.s32 v1, v4;
	_ =	sdelay $0x1  }
0x16a: {  	v3 =	vadd.s32 v1, v3;
	_ =	sdelay $0x1  }
0x16b: {  	s24 =	simm.s32 $0xD800  }
0x16c: {  	[tilespmem:s24], [sflag:$0x1] =	stream.indirect_vreg.gather [hbm4b:s4+s3], $0x80, v4, vm0, $0xb8;
	[tilespmem:$0x1B800] =	vst v63  }
0x16d: {  	s25 =	simm.s32 $0xE000  }
0x16e: {  	[tilespmem:s25], [sflag:$0x1] =	stream.indirect_vreg.gather [hbm4b:s4+s3], $0x80, v3, vm0, $0xb8;
	[tilespmem:$0x1B800] =	vst v63  }
0x16f: {  	v3 =	vld [tilespmem:s22+$0x150];
	_ =	sdelay $0x4  }
0x170: {  	v63 =	vshll.u32 v3, $0x1  }
0x171: {  	v3 =	vand.u32 $0x7, v3;
	v4 =	vand.u32 $0xFFFFFFF0, v63  }
0x172: {  	v3 =	vor.u32 v3, v4  }
0x173: {  	v4 =	vperm.xlane v3, v0;
	_ =	sdelay $0x1  }
0x174: {  	v3 =	vperm.xlane v3, v2;
	v4 =	vadd.s32 v1, v4;
	_ =	sdelay $0x1  }
0x175: {  	v3 =	vadd.s32 v1, v3;
	_ =	sdelay $0x1  }
0x176: {  	s26 =	simm.s32 $0xE800  }
0x177: {  	[tilespmem:s26], [sflag:$0x1] =	stream.indirect_vreg.gather [hbm4b:s4+s3], $0x80, v4, vm0, $0xb8;
	[tilespmem:$0x1B800] =	vst v63  }
0x178: {  	s28 =	simm.s32 $0xF000  }
0x179: {  	[tilespmem:s28], [sflag:$0x1] =	stream.indirect_vreg.gather [hbm4b:s4+s3], $0x80, v3, vm0, $0xb8;
	[tilespmem:$0x1B800] =	vst v63  }
.LBB2_6:
0x17a: {  	s21 =	sshrl.u32 s21, $0x2  }
0x17b: {  	v3 =	vld [tilespmem:s21+$0x4C00];
	_ =	sdelay $0x4  }
0x17c: {  	v4 =	vshll.u32 v3, $0x1  }
0x17d: {  	v3 =	vand.u32 $0x7, v3;
	v4 =	vand.u32 $0xFFFFFFF0, v4  }
0x17e: {  	v3 =	vor.u32 v3, v4  }
0x17f: {  	v4 =	vperm.xlane v3, v0;
	_ =	sdelay $0x1  }
0x180: {  	v3 =	vperm.xlane v3, v2;
	v4 =	vadd.s32 v1, v4;
	_ =	sdelay $0x1  }
0x181: {  	v3 =	vadd.s32 v1, v3;
	_ =	sdelay $0x2  }
0x182: {  	[hbm4b:s2+s3] =	stream.indirect_vreg.scatter [tilespmem:s6], [sflag:$0x3], $0x80, v4, vm0, $0xb8;
	[tilespmem:$0x1B800] =	vst v63  }
0x183: {  	_ = 	snop  }
0x184: {  	[hbm4b:s2+s3] =	stream.indirect_vreg.scatter [tilespmem:s7], [sflag:$0x3], $0x80, v3, vm0, $0xb8;
	[tilespmem:$0x1B800] =	vst v63  }
0x185: {  	v3 =	vld [tilespmem:s21+$0x4C10];
	_ =	sdelay $0x4  }
0x186: {  	v4 =	vshll.u32 v3, $0x1  }
0x187: {  	v3 =	vand.u32 $0x7, v3;
	v4 =	vand.u32 $0xFFFFFFF0, v4  }
0x188: {  	v3 =	vor.u32 v3, v4  }
0x189: {  	v4 =	vperm.xlane v3, v0;
	_ =	sdelay $0x1  }
0x18a: {  	v3 =	vperm.xlane v3, v2;
	v4 =	vadd.s32 v1, v4;
	_ =	sdelay $0x1  }
0x18b: {  	v3 =	vadd.s32 v1, v3;
	_ =	sdelay $0x2  }
0x18c: {  	[hbm4b:s2+s3] =	stream.indirect_vreg.scatter [tilespmem:s8], [sflag:$0x3], $0x80, v4, vm0, $0xb8;
	[tilespmem:$0x1B800] =	vst v63  }
0x18d: {  	_ = 	snop  }
0x18e: {  	[hbm4b:s2+s3] =	stream.indirect_vreg.scatter [tilespmem:s10], [sflag:$0x3], $0x80, v3, vm0, $0xb8;
	[tilespmem:$0x1B800] =	vst v63  }
0x18f: {  	v3 =	vld [tilespmem:s21+$0x4C20];
	_ =	sdelay $0x4  }
0x190: {  	v4 =	vshll.u32 v3, $0x1  }
0x191: {  	v3 =	vand.u32 $0x7, v3;
	v4 =	vand.u32 $0xFFFFFFF0, v4  }
0x192: {  	v3 =	vor.u32 v3, v4  }
0x193: {  	v4 =	vperm.xlane v3, v0;
	_ =	sdelay $0x1  }
0x194: {  	v3 =	vperm.xlane v3, v2;
	v4 =	vadd.s32 v1, v4;
	_ =	sdelay $0x1  }
0x195: {  	v3 =	vadd.s32 v1, v3;
	_ =	sdelay $0x2  }
0x196: {  	[hbm4b:s2+s3] =	stream.indirect_vreg.scatter [tilespmem:s11], [sflag:$0x3], $0x80, v4, vm0, $0xb8;
	[tilespmem:$0x1B800] =	vst v63  }
0x197: {  	_ = 	snop  }
0x198: {  	[hbm4b:s2+s3] =	stream.indirect_vreg.scatter [tilespmem:s12], [sflag:$0x3], $0x80, v3, vm0, $0xb8;
	[tilespmem:$0x1B800] =	vst v63  }
0x199: {  	_ =	swait.ge [sflag:s13], $0x6000  }
0x19a: {  	[sflag:s13] =	ssyncset.done $0x0  }
0x19b: {  	s22 =	simm.s32 @!p1 $0x4;
	[sflag:s13] =	ssyncadd.s32 $0xFFFFA000  }
0x19c: {  	s23 =	simm.s32 $0x0;
	_ =	swait.ge @!p1 [sflag:s22], $0x3000  }
0x19d: {  	s24 =	sand.u32 $0x3800, s23;
	s23 =	sand.u32 $0x380, s23;
	[sflag:s22] =	ssyncset.done @!p1 $0x0  }
0x19e: {  	[sflag:s22] =	ssyncadd.s32 @!p1 $0xFFFFD000;
	s22 =	sor.u32 s23, s24  }
0x19f: {  	v3 =	vld [tilespmem:s22+$0xF800]  }
0x1a0: {  	v4 =	vld [tilespmem:s22+$0x12800];
	_ =	sdelay $0x4  }
0x1a1: {  	v3 =	vadd.f32 v4, v3;
	_ =	sdelay $0x1  }
0x1a2: {  	s23 =	sadd.s32 $0x12800, s22;
	[tilespmem:s22+$0x18800] =	vst v3;
	v3 =	vld [tilespmem:s22+$0xF810]  }
0x1a3: {  	v4 =	vld [tilespmem:s23+$0x10];
	_ =	sdelay $0x4  }
0x1a4: {  	v3 =	vadd.f32 v4, v3;
	_ =	sdelay $0x1  }
0x1a5: {  	[tilespmem:s22+$0x18810] =	vst v3;
	v3 =	vld [tilespmem:s22+$0xF820]  }
0x1a6: {  	v4 =	vld [tilespmem:s23+$0x20];
	_ =	sdelay $0x4  }
0x1a7: {  	v3 =	vadd.f32 v4, v3;
	_ =	sdelay $0x1  }
0x1a8: {  	[tilespmem:s22+$0x18820] =	vst v3;
	v3 =	vld [tilespmem:s22+$0xF830]  }
0x1a9: {  	v4 =	vld [tilespmem:s23+$0x30];
	_ =	sdelay $0x4  }
0x1aa: {  	v3 =	vadd.f32 v4, v3;
	_ =	sdelay $0x1  }
0x1ab: {  	[tilespmem:s22+$0x18830] =	vst v3;
	v3 =	vld [tilespmem:s22+$0xF840]  }
0x1ac: {  	v4 =	vld [tilespmem:s23+$0x40];
	_ =	sdelay $0x4  }
0x1ad: {  	v3 =	vadd.f32 v4, v3;
	_ =	sdelay $0x1  }
0x1ae: {  	[tilespmem:s22+$0x18840] =	vst v3;
	v3 =	vld [tilespmem:s22+$0xF850]  }
0x1af: {  	v4 =	vld [tilespmem:s23+$0x50];
	_ =	sdelay $0x4  }
0x1b0: {  	v3 =	vadd.f32 v4, v3;
	_ =	sdelay $0x1  }
0x1b1: {  	[tilespmem:s22+$0x18850] =	vst v3;
	v3 =	vld [tilespmem:s22+$0xF860]  }
0x1b2: {  	v5 =	vld [tilespmem:s23+$0x60];
	_ =	sdelay $0x4  }
0x1b3: {  	v4 =	vld [tilespmem:s22+$0xFC00];
	v3 =	vadd.f32 v5, v3  }
0x1b4: {  	v5 =	vld [tilespmem:s22+$0x12C00]  }
0x1b5: {  	[tilespmem:s22+$0x18860] =	vst v3;
	v3 =	vld [tilespmem:s22+$0xF870]  }
0x1b6: {  	v6 =	vld [tilespmem:s23+$0x70];
	_ =	sdelay $0x3  }
0x1b7: {  	v4 =	vadd.f32 v5, v4  }
0x1b8: {  	v3 =	vadd.f32 v6, v3  }
0x1b9: {  	[tilespmem:s22+$0x18C00] =	vst v4  }
0x1ba: {  	s25 =	sadd.s32 $0x12C00, s22;
	[tilespmem:s22+$0x18870] =	vst v3;
	v3 =	vld [tilespmem:s22+$0xFC10]  }
0x1bb: {  	v4 =	vld [tilespmem:s25+$0x10];
	_ =	sdelay $0x4  }
0x1bc: {  	v3 =	vadd.f32 v4, v3;
	_ =	sdelay $0x1  }
0x1bd: {  	[tilespmem:s22+$0x18C10] =	vst v3;
	v3 =	vld [tilespmem:s22+$0xFC20]  }
0x1be: {  	v4 =	vld [tilespmem:s25+$0x20];
	_ =	sdelay $0x4  }
0x1bf: {  	v3 =	vadd.f32 v4, v3;
	_ =	sdelay $0x1  }
0x1c0: {  	[tilespmem:s22+$0x18C20] =	vst v3;
	v3 =	vld [tilespmem:s22+$0xFC30]  }
0x1c1: {  	v4 =	vld [tilespmem:s25+$0x30];
	_ =	sdelay $0x4  }
0x1c2: {  	v3 =	vadd.f32 v4, v3;
	_ =	sdelay $0x1  }
0x1c3: {  	[tilespmem:s22+$0x18C30] =	vst v3;
	v3 =	vld [tilespmem:s22+$0xFC40]  }
0x1c4: {  	v4 =	vld [tilespmem:s25+$0x40];
	_ =	sdelay $0x4  }
0x1c5: {  	v3 =	vadd.f32 v4, v3;
	_ =	sdelay $0x1  }
0x1c6: {  	[tilespmem:s22+$0x18C40] =	vst v3;
	v3 =	vld [tilespmem:s22+$0xFC50]  }
0x1c7: {  	v4 =	vld [tilespmem:s25+$0x50];
	_ =	sdelay $0x4  }
0x1c8: {  	v3 =	vadd.f32 v4, v3;
	_ =	sdelay $0x1  }
0x1c9: {  	v4 =	vld [tilespmem:s22+$0xFC60];
	[tilespmem:s22+$0x18C50] =	vst v3  }
0x1ca: {  	v5 =	vld [tilespmem:s25+$0x60];
	_ =	sdelay $0x2  }
0x1cb: {  	s28 =	simm.s32 $0x100;
	s23 =	simm.s32 $0x80  }
0x1cc: {  	s24 =	sand.u32 $0x3800, s28;
	s26 =	sand.u32 $0x380, s23  }
0x1cd: {  	s26 =	sor.u32 s26, s24;
	v3 =	vld [tilespmem:s22+$0xFC70];
	v5 =	vadd.f32 v5, v4  }
0x1ce: {  	s24 =	simm.s32 $0x200;
	v4 =	vld [tilespmem:s26+$0xF800]  }
.LBB2_7:
0x1cf: {  	p1 =	sne.s32 s24, $0x2F00;
	v6 =	vld [tilespmem:s26+$0x12800];
	[tilespmem:s22+$0x18C60] =	vst v5  }
0x1d0: {  	v5 =	vld [tilespmem:s25+$0x70];
	_ =	sdelay $0x3  }
0x1d1: {  	v4 =	vadd.f32 v6, v4  }
0x1d2: {  	v3 =	vadd.f32 v5, v3  }
0x1d3: {  	[tilespmem:s26+$0x18800] =	vst v4  }
0x1d4: {  	s25 =	sadd.s32 $0x12800, s26;
	v4 =	vld [tilespmem:s26+$0xF810];
	[tilespmem:s22+$0x18C70] =	vst v3;
	s22 =	smov.u32 s26  }
0x1d5: {  	v3 =	vld [tilespmem:s25+$0x10];
	_ =	sdelay $0x4  }
0x1d6: {  	v3 =	vadd.f32 v3, v4;
	_ =	sdelay $0x1  }
0x1d7: {  	[tilespmem:s22+$0x18810] =	vst v3;
	v3 =	vld [tilespmem:s22+$0xF820]  }
0x1d8: {  	v4 =	vld [tilespmem:s25+$0x20];
	_ =	sdelay $0x4  }
0x1d9: {  	v3 =	vadd.f32 v4, v3;
	_ =	sdelay $0x1  }
0x1da: {  	[tilespmem:s22+$0x18820] =	vst v3;
	v3 =	vld [tilespmem:s22+$0xF830]  }
0x1db: {  	v4 =	vld [tilespmem:s25+$0x30];
	_ =	sdelay $0x4  }
0x1dc: {  	v3 =	vadd.f32 v4, v3;
	_ =	sdelay $0x1  }
0x1dd: {  	[tilespmem:s22+$0x18830] =	vst v3;
	v3 =	vld [tilespmem:s22+$0xF840]  }
0x1de: {  	v4 =	vld [tilespmem:s25+$0x40];
	_ =	sdelay $0x4  }
0x1df: {  	v3 =	vadd.f32 v4, v3;
	_ =	sdelay $0x1  }
0x1e0: {  	[tilespmem:s22+$0x18840] =	vst v3;
	v3 =	vld [tilespmem:s22+$0xF850]  }
0x1e1: {  	v4 =	vld [tilespmem:s25+$0x50];
	_ =	sdelay $0x4  }
0x1e2: {  	v3 =	vadd.f32 v4, v3  }
0x1e3: {  	v4 =	vld [tilespmem:s22+$0xFC00]  }
0x1e4: {  	[tilespmem:s22+$0x18850] =	vst v3;
	v3 =	vld [tilespmem:s22+$0xF860]  }
0x1e5: {  	v5 =	vld [tilespmem:s25+$0x60]  }
0x1e6: {  	v6 =	vld [tilespmem:s22+$0x12C00];
	_ =	sdelay $0x3  }
0x1e7: {  	v3 =	vadd.f32 v5, v3  }
0x1e8: {  	v4 =	vadd.f32 v6, v4  }
0x1e9: {  	[tilespmem:s22+$0x18860] =	vst v3;
	v3 =	vld [tilespmem:s22+$0xF870]  }
0x1ea: {  	v5 =	vld [tilespmem:s25+$0x70];
	[tilespmem:s22+$0x18C00] =	vst v4;
	_ =	sdelay $0x4  }
0x1eb: {  	v3 =	vadd.f32 v5, v3;
	_ =	sdelay $0x1  }
0x1ec: {  	s25 =	sadd.s32 $0x12C00, s22;
	[tilespmem:s22+$0x18870] =	vst v3;
	v3 =	vld [tilespmem:s22+$0xFC10]  }
0x1ed: {  	v4 =	vld [tilespmem:s25+$0x10];
	_ =	sdelay $0x4  }
0x1ee: {  	v3 =	vadd.f32 v4, v3;
	_ =	sdelay $0x1  }
0x1ef: {  	[tilespmem:s22+$0x18C10] =	vst v3;
	v3 =	vld [tilespmem:s22+$0xFC20]  }
0x1f0: {  	v4 =	vld [tilespmem:s25+$0x20];
	_ =	sdelay $0x4  }
0x1f1: {  	v3 =	vadd.f32 v4, v3;
	_ =	sdelay $0x1  }
0x1f2: {  	[tilespmem:s22+$0x18C20] =	vst v3;
	v3 =	vld [tilespmem:s22+$0xFC30]  }
0x1f3: {  	v4 =	vld [tilespmem:s25+$0x30];
	_ =	sdelay $0x4  }
0x1f4: {  	v3 =	vadd.f32 v4, v3;
	_ =	sdelay $0x1  }
0x1f5: {  	[tilespmem:s22+$0x18C30] =	vst v3;
	v3 =	vld [tilespmem:s22+$0xFC40]  }
0x1f6: {  	v4 =	vld [tilespmem:s25+$0x40];
	_ =	sdelay $0x4  }
0x1f7: {  	v3 =	vadd.f32 v4, v3;
	_ =	sdelay $0x1  }
0x1f8: {  	[tilespmem:s22+$0x18C40] =	vst v3;
	v3 =	vld [tilespmem:s22+$0xFC50]  }
0x1f9: {  	v4 =	vld [tilespmem:s25+$0x50];
	_ =	sdelay $0x4  }
0x1fa: {  	v3 =	vadd.f32 v4, v3;
	_ =	sdelay $0x1  }
0x1fb: {  	[tilespmem:s22+$0x18C50] =	vst v3;
	v3 =	vld [tilespmem:s22+$0xFC60]  }
0x1fc: {  	v4 =	vld [tilespmem:s25+$0x60];
	_ =	sdelay $0x1  }
.Ltmp6:
0x1fd: {  	(pc) =	sbr.rel @p1 .LBB2_7-.Ltmp6, $4  }
0x1fe: {  	s23 =	sadd.s32 $0x80, s23  }
0x1ff: {  	s28 =	sand.u32 $0x380, s23;
	s26 =	sand.u32 $0x3800, s24  }
0x200: {  	s26 =	sor.u32 s28, s26;
	v5 =	vadd.f32 v4, v3;
	v3 =	vld [tilespmem:s22+$0xFC70]  }
0x201: {  	s24 =	sadd.s32 $0x100, s24;
	v4 =	vld [tilespmem:s26+$0xF800]  }
0x202: {  	v6 =	vld [tilespmem:s26+$0x12800];
	[tilespmem:s22+$0x18C60] =	vst v5  }
0x203: {  	v5 =	vld [tilespmem:s25+$0x70];
	_ =	sdelay $0x3  }
0x204: {  	v4 =	vadd.f32 v6, v4  }
0x205: {  	v3 =	vadd.f32 v5, v3  }
0x206: {  	[tilespmem:s26+$0x18800] =	vst v4  }
0x207: {  	s23 =	sadd.s32 $0x12800, s26;
	v49 =	vld [tilespmem:s26+$0xF810];
	[tilespmem:s22+$0x18C70] =	vst v3  }
0x208: {  	v3 =	vld [tilespmem:s23+$0x10];
	_ =	sdelay $0x4  }
0x209: {  	v3 =	vadd.f32 v3, v49;
	_ =	sdelay $0x1  }
0x20a: {  	[tilespmem:s26+$0x18810] =	vst v3;
	v3 =	vld [tilespmem:s26+$0xF820]  }
0x20b: {  	v50 =	vld [tilespmem:s23+$0x20];
	_ =	sdelay $0x4  }
0x20c: {  	v3 =	vadd.f32 v50, v3;
	_ =	sdelay $0x1  }
0x20d: {  	[tilespmem:s26+$0x18820] =	vst v3;
	v3 =	vld [tilespmem:s26+$0xF830]  }
0x20e: {  	v51 =	vld [tilespmem:s23+$0x30];
	_ =	sdelay $0x4  }
0x20f: {  	v3 =	vadd.f32 v51, v3;
	_ =	sdelay $0x1  }
0x210: {  	[tilespmem:s26+$0x18830] =	vst v3;
	v3 =	vld [tilespmem:s26+$0xF840]  }
0x211: {  	v52 =	vld [tilespmem:s23+$0x40];
	_ =	sdelay $0x4  }
0x212: {  	v3 =	vadd.f32 v52, v3;
	_ =	sdelay $0x1  }
0x213: {  	[tilespmem:s26+$0x18840] =	vst v3;
	v3 =	vld [tilespmem:s26+$0xF850]  }
0x214: {  	v53 =	vld [tilespmem:s23+$0x50];
	_ =	sdelay $0x4  }
0x215: {  	v3 =	vadd.f32 v53, v3;
	_ =	sdelay $0x1  }
0x216: {  	[tilespmem:s26+$0x18850] =	vst v3;
	v3 =	vld [tilespmem:s26+$0xF860]  }
0x217: {  	v55 =	vld [tilespmem:s23+$0x60];
	_ =	sdelay $0x4  }
0x218: {  	v54 =	vld [tilespmem:s26+$0xFC00];
	v3 =	vadd.f32 v55, v3  }
0x219: {  	v56 =	vld [tilespmem:s26+$0x12C00]  }
0x21a: {  	[tilespmem:s26+$0x18860] =	vst v3;
	v3 =	vld [tilespmem:s26+$0xF870]  }
0x21b: {  	v57 =	vld [tilespmem:s23+$0x70];
	_ =	sdelay $0x3  }
0x21c: {  	v4 =	vadd.f32 v56, v54  }
0x21d: {  	v3 =	vadd.f32 v57, v3  }
0x21e: {  	[tilespmem:s26+$0x18C00] =	vst v4  }
0x21f: {  	s28 =	sadd.s32 $0x12C00, s26;
	[tilespmem:s26+$0x18870] =	vst v3;
	v3 =	vld [tilespmem:s26+$0xFC10]  }
0x220: {  	v4 =	vld [tilespmem:s28+$0x10];
	_ =	sdelay $0x4  }
0x221: {  	v3 =	vadd.f32 v4, v3;
	_ =	sdelay $0x1  }
0x222: {  	[tilespmem:s26+$0x18C10] =	vst v3;
	v3 =	vld [tilespmem:s26+$0xFC20]  }
0x223: {  	v58 =	vld [tilespmem:s28+$0x20];
	_ =	sdelay $0x4  }
0x224: {  	v3 =	vadd.f32 v58, v3;
	_ =	sdelay $0x1  }
0x225: {  	[tilespmem:s26+$0x18C20] =	vst v3;
	v3 =	vld [tilespmem:s26+$0xFC30]  }
0x226: {  	v59 =	vld [tilespmem:s28+$0x30];
	_ =	sdelay $0x4  }
0x227: {  	v3 =	vadd.f32 v59, v3;
	_ =	sdelay $0x1  }
0x228: {  	[tilespmem:s26+$0x18C30] =	vst v3;
	v3 =	vld [tilespmem:s26+$0xFC40]  }
0x229: {  	v60 =	vld [tilespmem:s28+$0x40];
	_ =	sdelay $0x4  }
0x22a: {  	v3 =	vadd.f32 v60, v3;
	_ =	sdelay $0x1  }
0x22b: {  	[tilespmem:s26+$0x18C40] =	vst v3;
	v3 =	vld [tilespmem:s26+$0xFC50]  }
0x22c: {  	v61 =	vld [tilespmem:s28+$0x50];
	_ =	sdelay $0x4  }
0x22d: {  	v3 =	vadd.f32 v61, v3;
	_ =	sdelay $0x1  }
0x22e: {  	[tilespmem:s26+$0x18C50] =	vst v3;
	v3 =	vld [tilespmem:s26+$0xFC60]  }
0x22f: {  	v62 =	vld [tilespmem:s28+$0x60];
	_ =	sdelay $0x4  }
0x230: {  	v3 =	vadd.f32 v62, v3;
	_ =	sdelay $0x1  }
0x231: {  	v63 =	vld [tilespmem:s26+$0xFC70];
	[tilespmem:s26+$0x18C60] =	vst v3  }
0x232: {  	v3 =	vld [tilespmem:s28+$0x70];
	_ =	sdelay $0x2  }
.Ltmp7:
0x233: {  	_ = 	snop;
	(pc) =	sbr.rel @p0 .LBB2_10-.Ltmp7, $3  }
0x234: {  	_ = 	snop  }
0x235: {  	v3 =	vadd.f32 v3, v63;
	_ =	sdelay $0x1  }
0x236: {  	[tilespmem:s26+$0x18C70] =	vst v3  }
0x237: {  	v3 =	vld [tilespmem:s21+$0x180];
	_ =	sdelay $0x4  }
0x238: {  	v4 =	vshll.u32 v3, $0x1  }
0x239: {  	v3 =	vand.u32 $0x7, v3;
	v4 =	vand.u32 $0xFFFFFFF0, v4  }
0x23a: {  	v3 =	vor.u32 v3, v4  }
0x23b: {  	v4 =	vperm.xlane v3, v0;
	_ =	sdelay $0x1  }
0x23c: {  	v3 =	vperm.xlane v3, v2;
	v4 =	vadd.s32 v1, v4;
	_ =	sdelay $0x1  }
0x23d: {  	v3 =	vadd.s32 v1, v3;
	_ =	sdelay $0x1  }
0x23e: {  	s22 =	simm.s32 $0xF800  }
0x23f: {  	[tilespmem:s22], [sflag:$0x2] =	stream.indirect_vreg.gather [hbm4b:s4+s3], $0x80, v4, vm0, $0xb8;
	[tilespmem:$0x1B800] =	vst v63  }
0x240: {  	s23 =	simm.s32 $0x10000  }
0x241: {  	[tilespmem:s23], [sflag:$0x2] =	stream.indirect_vreg.gather [hbm4b:s4+s3], $0x80, v3, vm0, $0xb8;
	[tilespmem:$0x1B800] =	vst v63  }
0x242: {  	v3 =	vld [tilespmem:s21+$0x190];
	_ =	sdelay $0x4  }
0x243: {  	v59 =	vshll.u32 v3, $0x1  }
0x244: {  	v3 =	vand.u32 $0x7, v3;
	v4 =	vand.u32 $0xFFFFFFF0, v59  }
0x245: {  	v3 =	vor.u32 v3, v4  }
0x246: {  	v4 =	vperm.xlane v3, v0;
	_ =	sdelay $0x1  }
0x247: {  	v3 =	vperm.xlane v3, v2;
	v4 =	vadd.s32 v1, v4;
	_ =	sdelay $0x1  }
0x248: {  	v3 =	vadd.s32 v1, v3;
	_ =	sdelay $0x1  }
0x249: {  	s24 =	simm.s32 $0x10800  }
0x24a: {  	[tilespmem:s24], [sflag:$0x2] =	stream.indirect_vreg.gather [hbm4b:s4+s3], $0x80, v4, vm0, $0xb8;
	[tilespmem:$0x1B800] =	vst v63  }
0x24b: {  	s25 =	simm.s32 $0x11000  }
0x24c: {  	[tilespmem:s25], [sflag:$0x2] =	stream.indirect_vreg.gather [hbm4b:s4+s3], $0x80, v3, vm0, $0xb8;
	[tilespmem:$0x1B800] =	vst v63  }
0x24d: {  	v3 =	vld [tilespmem:s21+$0x1A0];
	_ =	sdelay $0x4  }
0x24e: {  	v60 =	vshll.u32 v3, $0x1  }
0x24f: {  	v3 =	vand.u32 $0x7, v3;
	v4 =	vand.u32 $0xFFFFFFF0, v60  }
0x250: {  	v3 =	vor.u32 v3, v4  }
0x251: {  	v4 =	vperm.xlane v3, v0;
	_ =	sdelay $0x1  }
0x252: {  	v3 =	vperm.xlane v3, v2;
	v4 =	vadd.s32 v1, v4;
	_ =	sdelay $0x1  }
0x253: {  	v3 =	vadd.s32 v1, v3;
	_ =	sdelay $0x1  }
0x254: {  	s26 =	simm.s32 $0x11800  }
0x255: {  	[tilespmem:s26], [sflag:$0x2] =	stream.indirect_vreg.gather [hbm4b:s4+s3], $0x80, v4, vm0, $0xb8;
	[tilespmem:$0x1B800] =	vst v63  }
0x256: {  	s28 =	simm.s32 $0x12000  }
0x257: {  	[tilespmem:s28], [sflag:$0x2] =	stream.indirect_vreg.gather [hbm4b:s4+s3], $0x80, v3, vm0, $0xb8;
	[tilespmem:$0x1B800] =	vst v63  }
0x258: {  	v3 =	vld [tilespmem:s21+$0x1B0];
	_ =	sdelay $0x4  }
0x259: {  	v61 =	vshll.u32 v3, $0x1  }
0x25a: {  	v3 =	vand.u32 $0x7, v3;
	v4 =	vand.u32 $0xFFFFFFF0, v61  }
0x25b: {  	v3 =	vor.u32 v3, v4  }
0x25c: {  	v4 =	vperm.xlane v3, v0;
	_ =	sdelay $0x1  }
0x25d: {  	v3 =	vperm.xlane v3, v2;
	v4 =	vadd.s32 v1, v4;
	_ =	sdelay $0x1  }
0x25e: {  	v3 =	vadd.s32 v1, v3;
	_ =	sdelay $0x2  }
0x25f: {  	[tilespmem:s29], [sflag:$0x2] =	stream.indirect_vreg.gather [hbm4b:s4+s3], $0x80, v4, vm0, $0xb8;
	[tilespmem:$0x1B800] =	vst v63  }
0x260: {  	_ = 	snop  }
0x261: {  	[tilespmem:s30], [sflag:$0x2] =	stream.indirect_vreg.gather [hbm4b:s4+s3], $0x80, v3, vm0, $0xb8;
	[tilespmem:$0x1B800] =	vst v63  }
0x262: {  	v3 =	vld [tilespmem:s21+$0x1C0];
	_ =	sdelay $0x4  }
0x263: {  	v62 =	vshll.u32 v3, $0x1  }
0x264: {  	v3 =	vand.u32 $0x7, v3;
	v4 =	vand.u32 $0xFFFFFFF0, v62  }
0x265: {  	v3 =	vor.u32 v3, v4  }
0x266: {  	v4 =	vperm.xlane v3, v0;
	_ =	sdelay $0x1  }
0x267: {  	v3 =	vperm.xlane v3, v2;
	v4 =	vadd.s32 v1, v4;
	_ =	sdelay $0x1  }
0x268: {  	v3 =	vadd.s32 v1, v3;
	_ =	sdelay $0x2  }
0x269: {  	[tilespmem:s31], [sflag:$0x2] =	stream.indirect_vreg.gather [hbm4b:s4+s3], $0x80, v4, vm0, $0xb8;
	[tilespmem:$0x1B800] =	vst v63  }
0x26a: {  	_ = 	snop  }
0x26b: {  	[tilespmem:s1], [sflag:$0x2] =	stream.indirect_vreg.gather [hbm4b:s4+s3], $0x80, v3, vm0, $0xb8;
	[tilespmem:$0x1B800] =	vst v63  }
0x26c: {  	v3 =	vld [tilespmem:s21+$0x1D0];
	_ =	sdelay $0x4  }
0x26d: {  	v63 =	vshll.u32 v3, $0x1  }
0x26e: {  	v3 =	vand.u32 $0x7, v3;
	v4 =	vand.u32 $0xFFFFFFF0, v63  }
0x26f: {  	v3 =	vor.u32 v3, v4  }
0x270: {  	v4 =	vperm.xlane v3, v0;
	_ =	sdelay $0x1  }
0x271: {  	v3 =	vperm.xlane v3, v2;
	v4 =	vadd.s32 v1, v4;
	_ =	sdelay $0x1  }
0x272: {  	v3 =	vadd.s32 v1, v3  }
.Ltmp8:
0x273: {  	_ = 	snop;
	(pc) =	sbr.rel .LBB2_10-.Ltmp8, $4  }
0x274: {  	_ = 	snop  }
0x275: {  	[tilespmem:s0], [sflag:$0x2] =	stream.indirect_vreg.gather [hbm4b:s4+s3], $0x80, v4, vm0, $0xb8;
	[tilespmem:$0x1B800] =	vst v63  }
0x276: {  	_ = 	snop  }
0x277: {  	[tilespmem:s9], [sflag:$0x2] =	stream.indirect_vreg.gather [hbm4b:s4+s3], $0x80, v3, vm0, $0xb8;
	[tilespmem:$0x1B800] =	vst v63  }
.LBB2_12:
0x278: {  	_ =	sfence.sel $0x180000  }
0x279: {  	[bflag:$0x0] =	sbarrier.arrive $0xFFFF  }
0x27a: {  	_ =	strace $0x90000047  }
0x27b: {  	s0 =	stileid.u32;
	[bflag:$0x2] =	sbarrier.arrive $0xFFFF  }
0x27c: {  	p0 =	sne.s32 s0, $0x0;
	s0 =	rddreg [dreg:$0x2]  }
0x27d: {  	s0 =	sadd.s32 @!p0 $0x100000, s0  }
0x27e: {  	[sflag:s0] =	ssyncadd.tile.s32 @!p0 $0x1;
	_ =	shalt  }
.Lfunc_end2:
_tile_overlayer_lowered:
.L_overlay_start_2:
0x27f: {  	(tag) =	ssettag $0x2  }
0x280: {  	s0 =	rddreg [dreg:$0x0];
	s2 =	stileid.u32  }
0x281: {  	s1 =	rddreg [dreg:$0x1];
	p0 =	sne.s32 s2, $0x0  }
0x282: {  	s3 =	rddreg [dreg:$0x2];
	[bflag:$0x3] =	sbarrier.arrive $0xFFFF;
	s2 =	simm.s32 @!p0 $0x1C05  }
0x283: {  	[timem:s3], [sflag:s2] =	dma.local @!p0 [hbm:s0], s1  }
0x284: {  	s0 =	simm.s32 @!p0 $0x5  }
0x285: {  	_ =	swait.ge @!p0 [sflag:s0], s1  }
0x286: {  	s1 =	ssub.s32 @!p0 $0x0, s1;
	[sflag:s0] =	ssyncset.done @!p0 $0x0  }
0x287: {  	[sflag:s0] =	ssyncadd.s32 @!p0 s1  }
0x288: {  	[bflag:$0x3] =	sbarrier.arrive $0xFFFF  }
0x289: {  	_ =	shalt  }

</sc_bundles>
